<compile_context>
chip_gen: v7x
topology: tpu7x:2x2x1
jax: 0.10.2.dev20260603
libtpu: 0.0.44.dev20260713+nightly
codegen_flags: <defaults>
</compile_context>

<pallas_src>
import functools

import jax
import jax.numpy as jnp
from jax import lax
from jax.experimental import pallas as pl
from jax.experimental.pallas import tpu as pltpu
from jax.experimental.pallas import tpu_sc as plsc

B, C, T = 16, 9, 4096
L = 16
SEG = T // L
RW = L + 1
ZSZ = RW * SEG
OPAD = 3 * RW
OSZ = ZSZ + OPAD

_mesh = plsc.VectorSubcoreMesh(core_axis_name="c", subcore_axis_name="s")


@functools.partial(
    pl.kernel,
    mesh=_mesh,
    out_type=jax.ShapeDtypeStruct((B * 2 * T,), jnp.float32),
    compiler_params=pltpu.CompilerParams(needs_layout_passes=False),
    scratch_types=[
        pltpu.VMEM((T,), jnp.float32),
        pltpu.VMEM((T,), jnp.float32),
        pltpu.VMEM((ZSZ,), jnp.float32),
        pltpu.VMEM((ZSZ,), jnp.float32),
        pltpu.VMEM((ZSZ,), jnp.float32),
        pltpu.VMEM((OSZ,), jnp.float32),
        pltpu.VMEM((T,), jnp.float32),
        pltpu.VMEM((2 * L,), jnp.int32),
        pltpu.SemaphoreType.DMA,
        pltpu.SemaphoreType.DMA,
    ],
)
def _finger_mask_sc(gl_hbm, out_hbm, pbuf, rbuf, zp, zr, zs, zo, obuf, cbuf,
                    sem_p, sem_r):
    sid = lax.axis_index("s")
    wid = sid * 2 + lax.axis_index("c")

    base = wid * (2 * T)
    cp_p = pltpu.async_copy(gl_hbm.at[pl.ds(base, T)], pbuf, sem_p)
    cp_r = pltpu.async_copy(gl_hbm.at[pl.ds(base + T, T)], rbuf, sem_r)

    iota = lax.iota(jnp.int32, L)
    iota17 = iota * RW
    one_i = jnp.ones((L,), jnp.int32)
    zero_i = jnp.zeros((L,), jnp.int32)
    one_f = jnp.ones((L,), jnp.float32)
    zero_f = jnp.zeros((L,), jnp.float32)

    def prefill(v, _):
        gidx = iota17 + (v * (RW * L) + L)
        plsc.store_scatter(zp, [gidx], zero_f)
        plsc.store_scatter(zr, [gidx], zero_f)
        plsc.store_scatter(zs, [gidx], zero_f)
        return 0

    lax.fori_loop(0, L, prefill, 0, unroll=4)

    def repack(m):
        sidx = iota17 + ((m % L) * (RW * L) + m // L)
        plsc.store_scatter(zp, [sidx], pbuf[pl.ds(m * L, L)])
        plsc.store_scatter(zr, [sidx], rbuf[pl.ds(m * L, L)])

    def process_row(wid):
        cp_p.wait()
        cp_r.wait()

        plsc.parallel_loop(0, SEG, unroll=4)(repack)

        xm0 = zp[pl.ds(RW * (SEG - 1) - 1, L)]
        ym0 = zr[pl.ds(RW * (SEG - 1) - 1, L)]

        def pass1(j, carry):
            xm, ym, h, k, kp, kr = carry
            x = zp[pl.ds(j * RW, L)]
            y = zr[pl.ds(j * RW, L)]
            p_on = (x - xm) > 0
            r_on = (y - ym) > 0
            h = jnp.where(p_on, one_i, jnp.where(r_on, zero_i, h))
            k = jnp.where(p_on | r_on, one_i, k)
            kp = jnp.where(p_on, one_i, kp)
            kr = jnp.where(r_on, one_i, kr)
            return x, y, h, k, kp, kr

        _, _, h, k, kp, kr = plsc.parallel_loop(
            0, SEG, unroll=4,
            carry=(xm0, ym0, zero_i, zero_i, zero_i, zero_i))(pass1)

        valid = (jnp.max(kp) > 0) & (jnp.max(kr) > 0)
        vf = jnp.where(valid, jnp.float32(1.0), jnp.float32(0.0))

        e_lane = jnp.where(k > 0, iota * 2 + h, -one_i)
        ec = plsc.cummax(e_lane)
        cbuf[pl.ds(0, L)] = -one_i
        cbuf[pl.ds(1, L)] = ec
        ecs = cbuf[pl.ds(0, L)]
        s_entry = jnp.where(ecs >= 0, (ecs % 2).astype(jnp.float32), zero_f)

        def pass2(j, carry):
            xm, ym, s, s1, m21, m22, m41, m42, m43, m44 = carry
            x = zp[pl.ds(j * RW, L)]
            y = zr[pl.ds(j * RW, L)]
            p_on = (x - xm) > 0
            r_on = (y - ym) > 0
            s = jnp.where(p_on, one_f, jnp.where(r_on, zero_f, s))
            zs[pl.ds(j * RW, L)] = s
            m2 = jnp.maximum(s, s1)
            m4 = jnp.maximum(m2, m22)
            m8 = jnp.maximum(m4, m44)
            zo[pl.ds(j * RW, L)] = m8 * vf
            return x, y, s, s, m2, m21, m4, m41, m42, m43

        plsc.parallel_loop(
            0, SEG, unroll=4,
            carry=(xm0, ym0, s_entry, zero_f,
                   zero_f, zero_f, zero_f, zero_f, zero_f, zero_f))(pass2)

        for d in (0, 1, 2, 3, SEG - 3, SEG - 2, SEG - 1):
            m = None
            for kk in range(8):
                delta = d - 4 + kk
                if delta < 0:
                    addr = RW * (SEG + delta) - 1
                elif delta < SEG:
                    addr = RW * delta
                else:
                    addr = RW * (delta - SEG) + 1
                v = zs[pl.ds(addr, L)]
                m = v if m is None else jnp.maximum(m, v)
            zo[pl.ds(RW * d + OPAD, L)] = m * vf

        def unrepack(m):
            gidx = iota17 + ((m % L) * (RW * L) + m // L + OPAD)
            obuf[pl.ds(m * L, L)] = plsc.load_gather(zo, [gidx])

        plsc.parallel_loop(0, SEG, unroll=4)(unrepack)
        pltpu.sync_copy(obuf, out_hbm.at[pl.ds(wid * T, T)])

    process_row(wid)


def kernel(gesture_labels):
    gl4 = gesture_labels[:, :4, :].reshape(-1)
    out = _finger_mask_sc(gl4)
    return out.reshape(B, 2, T)

# --- scband reference (transcript-rebuilt; emitter-appended) ---
"""Pipeline reference for scband-finger-state-mask-generator-601295421861 (READ-ONLY COPY).

The authoritative reference and input builder live on the scoring server;
editing this copy changes nothing except your own understanding.
"""

import jax, jax.numpy as jnp
import numpy as np

LPAD = 3
RPAD = 3


def setup_inputs(seed: int = 0) -> dict:
    key = jax.random.key(seed)
    gesture_labels = jax.random.uniform(key, (16, 9, 4096), dtype=jnp.float32)
    return {"gesture_labels": gesture_labels}


def reference(gesture_labels):
    # Faithful vectorized translation of FingerStateMaskGenerator.forward.
    # Channels: index_press=0, index_release=1, middle_press=2, middle_release=3.
    B, C, T = gesture_labels.shape
    press = gesture_labels[:, jnp.array([0, 2]), :]    # [B, 2, T]
    release = gesture_labels[:, jnp.array([1, 3]), :]  # [B, 2, T]
    zero = jnp.zeros((B, 2, 1), dtype=gesture_labels.dtype)
    press_diff = jnp.diff(press, axis=-1, prepend=zero)
    release_diff = jnp.diff(release, axis=-1, prepend=zero)
    press_on = (press_diff > 0).astype(jnp.float32)      # onset indicators
    release_on = (release_diff > 0).astype(jnp.float32)

    # State machine equivalent of the per-press-onset interval fill:
    # an interval opens at a press onset and closes (inclusively) at the first
    # strictly-later release onset; if none exists it runs to T-1.
    def step(s, xs):
        p, r = xs
        m = jnp.maximum(p, s)                 # mask = open-before-t OR press at t (release idx inclusive)
        s_new = jnp.maximum(p, s * (1.0 - r))  # release closes earlier press; same-step press reopens
        return s_new, m

    p_t = jnp.moveaxis(press_on, -1, 0)   # [T, B, 2]
    r_t = jnp.moveaxis(release_on, -1, 0)
    s0 = jnp.zeros((B, 2), dtype=jnp.float32)
    _, core_t = jax.lax.scan(step, s0, (p_t, r_t))
    core = jnp.moveaxis(core_t, 0, -1)    # [B, 2, T]

    # Original returns an all-zero mask if press onsets OR release onsets are empty.
    valid = (press_on.sum(-1) > 0) & (release_on.sum(-1) > 0)
    core = core * valid[..., None].astype(jnp.float32)

    # lpad/rpad dilation with edge clamping == windowed max over [t-rpad, t+lpad].
    padded = jnp.pad(core, ((0, 0), (0, 0), (RPAD, LPAD)))
    final = jnp.max(jnp.stack([padded[..., w:w + T] for w in range(LPAD + RPAD + 1)]), axis=0)
    return final

if __name__ == "__main__":
    import jax
    _d = setup_inputs()
    print(jax.jit(kernel)(*tuple(_d.values())))

</pallas_src>

<mosaic_0001>
#map = affine_map<(d0, d1) -> (0)>
module attributes {stable_mosaic.version = 14 : i64} {
  func.func @_finger_mask_sc(%arg0: i32, %arg1: i32, %arg2: memref<262144xf32, #tpu.memory_space<hbm>>, %arg3: memref<131072xf32, #tpu.memory_space<hbm>>, %arg4: memref<4096xf32, #tpu.memory_space<vmem>>, %arg5: memref<4096xf32, #tpu.memory_space<vmem>>, %arg6: memref<4352xf32, #tpu.memory_space<vmem>>, %arg7: memref<4352xf32, #tpu.memory_space<vmem>>, %arg8: memref<4352xf32, #tpu.memory_space<vmem>>, %arg9: memref<4403xf32, #tpu.memory_space<vmem>>, %arg10: memref<4096xf32, #tpu.memory_space<vmem>>, %arg11: memref<32xi32, #tpu.memory_space<vmem>>, %arg12: memref<!tpu.dma_semaphore, #tpu.memory_space<semaphore_mem>>, %arg13: memref<!tpu.dma_semaphore, #tpu.memory_space<semaphore_mem>>) attributes {dimension_semantics = [#tpu.dimension_semantics<core_parallel>, #tpu.dimension_semantics<subcore_parallel>], iteration_bounds = array<i64: 2, 16>, scalar_prefetch = 0 : i64, scratch_operands = 10 : i64, tpu.core_type = #tpu.core_type<sc_vector_subcore>, window_params = [{transform_indices = #map}, {transform_indices = #map}]} {
    %mul3A = arith.constant 2 : i32
    %mul3A_0 = arith.muli %arg1, %mul3A : i32
    %add3A = arith.addi %mul3A_0, %arg0 : i32
    %mul3A_1 = arith.constant 8192 : i32
    %mul3A_2 = arith.muli %add3A, %mul3A_1 : i32
    %dma_start3A = tpu.memref_slice %arg2[%mul3A_2] : memref<262144xf32, #tpu.memory_space<hbm>> -> memref<4096xf32, #tpu.memory_space<hbm>>
    %dma_start3A_3 = tpu.memref_slice %arg2[%mul3A_2] : memref<262144xf32, #tpu.memory_space<hbm>> -> memref<4096xf32, #tpu.memory_space<hbm>>
    tpu.enqueue_dma source(%dma_start3A_3 : memref<4096xf32, #tpu.memory_space<hbm>>) target(%arg4 : memref<4096xf32, #tpu.memory_space<vmem>>) target_semaphore(%arg12 : memref<!tpu.dma_semaphore, #tpu.memory_space<semaphore_mem>>)
    %add3A_4 = arith.constant 4096 : i32
    %add3A_5 = arith.addi %mul3A_2, %add3A_4 : i32
    %dma_start3A_6 = tpu.memref_slice %arg2[%add3A_5] : memref<262144xf32, #tpu.memory_space<hbm>> -> memref<4096xf32, #tpu.memory_space<hbm>>
    %dma_start3A_7 = tpu.memref_slice %arg2[%add3A_5] : memref<262144xf32, #tpu.memory_space<hbm>> -> memref<4096xf32, #tpu.memory_space<hbm>>
    tpu.enqueue_dma source(%dma_start3A_7 : memref<4096xf32, #tpu.memory_space<hbm>>) target(%arg5 : memref<4096xf32, #tpu.memory_space<vmem>>) target_semaphore(%arg13 : memref<!tpu.dma_semaphore, #tpu.memory_space<semaphore_mem>>)
    %iota3A = tpu.iota {dimensions = array<i32: 0>} : vector<16xi32>
    %mul3A_8 = arith.constant 17 : i32
    %mul3A_9 = vector.broadcast %mul3A_8 : i32 to vector<16xi32>
    %mul3A_10 = arith.muli %iota3A, %mul3A_9 : vector<16xi32>
    %broadcast_in_dim3A = arith.constant 1 : i32
    %broadcast_in_dim3A_11 = vector.broadcast %broadcast_in_dim3A : i32 to vector<16xi32>
    %broadcast_in_dim3A_12 = arith.constant 0 : i32
    %broadcast_in_dim3A_13 = vector.broadcast %broadcast_in_dim3A_12 : i32 to vector<16xi32>
    %broadcast_in_dim3A_14 = arith.constant 1.000000e+00 : f32
    %broadcast_in_dim3A_15 = vector.broadcast %broadcast_in_dim3A_14 : f32 to vector<16xf32>
    %broadcast_in_dim3A_16 = arith.constant 0.000000e+00 : f32
    %broadcast_in_dim3A_17 = vector.broadcast %broadcast_in_dim3A_16 : f32 to vector<16xf32>
    %scan3A = arith.constant 0 : i32
    %scan3A_18 = arith.constant 0 : i32
    %scan3A_19 = arith.constant 16 : i32
    %scan3A_20 = arith.addi %scan3A_18, %scan3A_19 : i32
    %scan3A_21 = arith.constant 4 : i32
    %scan3A_22 = scf.for %scan3A_297 = %scan3A_18 to %scan3A_20 step %scan3A_21 iter_args(%scan3A_298 = %scan3A) -> (i32)  : i32 {
      %mul3A_299 = arith.constant 272 : i32
      %mul3A_300 = arith.muli %scan3A_297, %mul3A_299 : i32
      %add3A_301 = arith.constant 16 : i32
      %add3A_302 = arith.addi %mul3A_300, %add3A_301 : i32
      %add3A_303 = vector.broadcast %add3A_302 : i32 to vector<16xi32>
      %add3A_304 = arith.addi %mul3A_10, %add3A_303 : vector<16xi32>
      tpu.vector_store_idx %arg6[%add3A_304], %broadcast_in_dim3A_17 : memref<4352xf32, #tpu.memory_space<vmem>>[vector<16xi32>], vector<16xf32>,
      tpu.vector_store_idx %arg7[%add3A_304], %broadcast_in_dim3A_17 : memref<4352xf32, #tpu.memory_space<vmem>>[vector<16xi32>], vector<16xf32>,
      tpu.vector_store_idx %arg8[%add3A_304], %broadcast_in_dim3A_17 : memref<4352xf32, #tpu.memory_space<vmem>>[vector<16xi32>], vector<16xf32>,
      %scan3A_305 = arith.constant 0 : i32
      %scan3A_306 = arith.constant 1 : i32
      %scan3A_307 = arith.addi %scan3A_297, %scan3A_306 : i32
      %mul3A_308 = arith.constant 272 : i32
      %mul3A_309 = arith.muli %scan3A_307, %mul3A_308 : i32
      %add3A_310 = arith.constant 16 : i32
      %add3A_311 = arith.addi %mul3A_309, %add3A_310 : i32
      %add3A_312 = vector.broadcast %add3A_311 : i32 to vector<16xi32>
      %add3A_313 = arith.addi %mul3A_10, %add3A_312 : vector<16xi32>
      tpu.vector_store_idx %arg6[%add3A_313], %broadcast_in_dim3A_17 : memref<4352xf32, #tpu.memory_space<vmem>>[vector<16xi32>], vector<16xf32>,
      tpu.vector_store_idx %arg7[%add3A_313], %broadcast_in_dim3A_17 : memref<4352xf32, #tpu.memory_space<vmem>>[vector<16xi32>], vector<16xf32>,
      tpu.vector_store_idx %arg8[%add3A_313], %broadcast_in_dim3A_17 : memref<4352xf32, #tpu.memory_space<vmem>>[vector<16xi32>], vector<16xf32>,
      %scan3A_314 = arith.constant 0 : i32
      %scan3A_315 = arith.constant 2 : i32
      %scan3A_316 = arith.addi %scan3A_297, %scan3A_315 : i32
      %mul3A_317 = arith.constant 272 : i32
      %mul3A_318 = arith.muli %scan3A_316, %mul3A_317 : i32
      %add3A_319 = arith.constant 16 : i32
      %add3A_320 = arith.addi %mul3A_318, %add3A_319 : i32
      %add3A_321 = vector.broadcast %add3A_320 : i32 to vector<16xi32>
      %add3A_322 = arith.addi %mul3A_10, %add3A_321 : vector<16xi32>
      tpu.vector_store_idx %arg6[%add3A_322], %broadcast_in_dim3A_17 : memref<4352xf32, #tpu.memory_space<vmem>>[vector<16xi32>], vector<16xf32>,
      tpu.vector_store_idx %arg7[%add3A_322], %broadcast_in_dim3A_17 : memref<4352xf32, #tpu.memory_space<vmem>>[vector<16xi32>], vector<16xf32>,
      tpu.vector_store_idx %arg8[%add3A_322], %broadcast_in_dim3A_17 : memref<4352xf32, #tpu.memory_space<vmem>>[vector<16xi32>], vector<16xf32>,
      %scan3A_323 = arith.constant 0 : i32
      %scan3A_324 = arith.constant 3 : i32
      %scan3A_325 = arith.addi %scan3A_297, %scan3A_324 : i32
      %mul3A_326 = arith.constant 272 : i32
      %mul3A_327 = arith.muli %scan3A_325, %mul3A_326 : i32
      %add3A_328 = arith.constant 16 : i32
      %add3A_329 = arith.addi %mul3A_327, %add3A_328 : i32
      %add3A_330 = vector.broadcast %add3A_329 : i32 to vector<16xi32>
      %add3A_331 = arith.addi %mul3A_10, %add3A_330 : vector<16xi32>
      tpu.vector_store_idx %arg6[%add3A_331], %broadcast_in_dim3A_17 : memref<4352xf32, #tpu.memory_space<vmem>>[vector<16xi32>], vector<16xf32>,
      tpu.vector_store_idx %arg7[%add3A_331], %broadcast_in_dim3A_17 : memref<4352xf32, #tpu.memory_space<vmem>>[vector<16xi32>], vector<16xf32>,
      tpu.vector_store_idx %arg8[%add3A_331], %broadcast_in_dim3A_17 : memref<4352xf32, #tpu.memory_space<vmem>>[vector<16xi32>], vector<16xf32>,
      %scan3A_332 = arith.constant 0 : i32
      scf.yield %scan3A_332 : i32
    }
    %scan3A_23 = arith.constant 16 : i32
    %dma_wait3A = tpu.memref_slice %arg2[%mul3A_2] : memref<262144xf32, #tpu.memory_space<hbm>> -> memref<4096xf32, #tpu.memory_space<hbm>>
    %dma_wait3A_24 = tpu.memref_slice %arg2[%mul3A_2] : memref<262144xf32, #tpu.memory_space<hbm>> -> memref<4096xf32, #tpu.memory_space<hbm>>
    tpu.wait_dma2 semaphore(%arg12 : memref<!tpu.dma_semaphore, #tpu.memory_space<semaphore_mem>>) src(%dma_wait3A_24 : memref<4096xf32, #tpu.memory_space<hbm>>) dst(%arg4 : memref<4096xf32, #tpu.memory_space<vmem>>)
    %dma_wait3A_25 = tpu.memref_slice %arg2[%add3A_5] : memref<262144xf32, #tpu.memory_space<hbm>> -> memref<4096xf32, #tpu.memory_space<hbm>>
    %dma_wait3A_26 = tpu.memref_slice %arg2[%add3A_5] : memref<262144xf32, #tpu.memory_space<hbm>> -> memref<4096xf32, #tpu.memory_space<hbm>>
    tpu.wait_dma2 semaphore(%arg13 : memref<!tpu.dma_semaphore, #tpu.memory_space<semaphore_mem>>) src(%dma_wait3A_26 : memref<4096xf32, #tpu.memory_space<hbm>>) dst(%arg5 : memref<4096xf32, #tpu.memory_space<vmem>>)
    %parallel_loop3A = arith.constant 0 : i32
    %parallel_loop3A_27 = arith.constant 256 : i32
    %parallel_loop3A_28 = arith.constant 1 : i32
    scf.for %parallel_loop3A_297 = %parallel_loop3A to %parallel_loop3A_27 step %parallel_loop3A_28  : i32 {
      %parallel_loop3A_298 = arith.constant 16 : i32
      %parallel_loop3A_299 = arith.constant 0 : i32
      %parallel_loop3A_300 = arith.cmpi eq, %parallel_loop3A_298, %parallel_loop3A_299 : i32
      %parallel_loop3A_301 = arith.constant 1 : i32
      %parallel_loop3A_302 = arith.select %parallel_loop3A_300, %parallel_loop3A_301, %parallel_loop3A_298 : i32
      %parallel_loop3A_303 = arith.remsi %parallel_loop3A_297, %parallel_loop3A_302 : i32
      %parallel_loop3A_304 = arith.constant 0 : i32
      %parallel_loop3A_305 = arith.cmpi ne, %parallel_loop3A_303, %parallel_loop3A_304 : i32
      %parallel_loop3A_306 = arith.constant 0 : i32
      %parallel_loop3A_307 = arith.cmpi slt, %parallel_loop3A_303, %parallel_loop3A_306 : i32
      %parallel_loop3A_308 = arith.constant 0 : i32
      %parallel_loop3A_309 = arith.cmpi slt, %parallel_loop3A_302, %parallel_loop3A_308 : i32
      %parallel_loop3A_310 = arith.xori %parallel_loop3A_307, %parallel_loop3A_309 : i1
      %parallel_loop3A_311 = arith.andi %parallel_loop3A_310, %parallel_loop3A_305 : i1
      %parallel_loop3A_312 = arith.addi %parallel_loop3A_303, %parallel_loop3A_302 : i32
      %parallel_loop3A_313 = arith.select %parallel_loop3A_311, %parallel_loop3A_312, %parallel_loop3A_303 : i32
      %parallel_loop3A_314 = arith.constant 272 : i32
      %parallel_loop3A_315 = arith.muli %parallel_loop3A_313, %parallel_loop3A_314 : i32
      %parallel_loop3A_316 = arith.constant 16 : i32
      %parallel_loop3A_317 = arith.divsi %parallel_loop3A_297, %parallel_loop3A_316 : i32
      %parallel_loop3A_318 = arith.constant 0 : i32
      %parallel_loop3A_319 = arith.cmpi sgt, %parallel_loop3A_297, %parallel_loop3A_318 : i32
      %parallel_loop3A_320 = arith.extui %parallel_loop3A_319 : i1 to i32
      %parallel_loop3A_321 = arith.constant 0 : i32
      %parallel_loop3A_322 = arith.cmpi slt, %parallel_loop3A_297, %parallel_loop3A_321 : i32
      %parallel_loop3A_323 = arith.extui %parallel_loop3A_322 : i1 to i32
      %parallel_loop3A_324 = arith.subi %parallel_loop3A_320, %parallel_loop3A_323 : i32
      %parallel_loop3A_325 = arith.constant 0 : i32
      %parallel_loop3A_326 = arith.cmpi sgt, %parallel_loop3A_316, %parallel_loop3A_325 : i32
      %parallel_loop3A_327 = arith.extui %parallel_loop3A_326 : i1 to i32
      %parallel_loop3A_328 = arith.constant 0 : i32
      %parallel_loop3A_329 = arith.cmpi slt, %parallel_loop3A_316, %parallel_loop3A_328 : i32
      %parallel_loop3A_330 = arith.extui %parallel_loop3A_329 : i1 to i32
      %parallel_loop3A_331 = arith.subi %parallel_loop3A_327, %parallel_loop3A_330 : i32
      %parallel_loop3A_332 = arith.cmpi ne, %parallel_loop3A_324, %parallel_loop3A_331 : i32
      %parallel_loop3A_333 = arith.remsi %parallel_loop3A_297, %parallel_loop3A_316 : i32
      %parallel_loop3A_334 = arith.constant 0 : i32
      %parallel_loop3A_335 = arith.cmpi ne, %parallel_loop3A_333, %parallel_loop3A_334 : i32
      %parallel_loop3A_336 = arith.andi %parallel_loop3A_332, %parallel_loop3A_335 : i1
      %parallel_loop3A_337 = arith.constant 1 : i32
      %parallel_loop3A_338 = arith.subi %parallel_loop3A_317, %parallel_loop3A_337 : i32
      %parallel_loop3A_339 = arith.select %parallel_loop3A_336, %parallel_loop3A_338, %parallel_loop3A_317 : i32
      %parallel_loop3A_340 = arith.addi %parallel_loop3A_315, %parallel_loop3A_339 : i32
      %parallel_loop3A_341 = vector.broadcast %parallel_loop3A_340 : i32 to vector<16xi32>
      %parallel_loop3A_342 = arith.addi %mul3A_10, %parallel_loop3A_341 : vector<16xi32>
      %parallel_loop3A_343 = arith.constant 16 : i32
      %parallel_loop3A_344 = arith.muli %parallel_loop3A_297, %parallel_loop3A_343 : i32
      %parallel_loop3A_345 = arith.index_cast %parallel_loop3A_344 : i32 to index
      %parallel_loop3A_346 = tpu.vector_load %arg4[%parallel_loop3A_345] {strides = array<i32>} : memref<4096xf32, #tpu.memory_space<vmem>>, vector<16xf32>,
      tpu.vector_store_idx %arg6[%parallel_loop3A_342], %parallel_loop3A_346 : memref<4352xf32, #tpu.memory_space<vmem>>[vector<16xi32>], vector<16xf32>,
      %parallel_loop3A_347 = arith.constant 16 : i32
      %parallel_loop3A_348 = arith.muli %parallel_loop3A_297, %parallel_loop3A_347 : i32
      %parallel_loop3A_349 = arith.index_cast %parallel_loop3A_348 : i32 to index
      %parallel_loop3A_350 = tpu.vector_load %arg5[%parallel_loop3A_349] {strides = array<i32>} : memref<4096xf32, #tpu.memory_space<vmem>>, vector<16xf32>,
      tpu.vector_store_idx %arg7[%parallel_loop3A_342], %parallel_loop3A_350 : memref<4352xf32, #tpu.memory_space<vmem>>[vector<16xi32>], vector<16xf32>,
    } {sc.loop_unroll_factor = 4 : i64, sc.parallel_access}
    %get3A = arith.constant 4334 : index
    %get3A_29 = tpu.vector_load %arg6[%get3A] {strides = array<i32>} : memref<4352xf32, #tpu.memory_space<vmem>>, vector<16xf32>,
    %get3A_30 = arith.constant 4334 : index
    %get3A_31 = tpu.vector_load %arg7[%get3A_30] {strides = array<i32>} : memref<4352xf32, #tpu.memory_space<vmem>>, vector<16xf32>,
    %parallel_loop3A_32 = arith.constant 0 : i32
    %parallel_loop3A_33 = arith.constant 256 : i32
    %parallel_loop3A_34 = arith.constant 1 : i32
    %parallel_loop3A_35:6 = scf.for %parallel_loop3A_297 = %parallel_loop3A_32 to %parallel_loop3A_33 step %parallel_loop3A_34 iter_args(%parallel_loop3A_298 = %get3A_29, %parallel_loop3A_299 = %get3A_31, %parallel_loop3A_300 = %broadcast_in_dim3A_13, %parallel_loop3A_301 = %broadcast_in_dim3A_13, %parallel_loop3A_302 = %broadcast_in_dim3A_13, %parallel_loop3A_303 = %broadcast_in_dim3A_13) -> (vector<16xf32>, vector<16xf32>, vector<16xi32>, vector<16xi32>, vector<16xi32>, vector<16xi32>)  : i32 {
      %parallel_loop3A_304 = arith.constant 17 : i32
      %parallel_loop3A_305 = arith.muli %parallel_loop3A_297, %parallel_loop3A_304 : i32
      %parallel_loop3A_306 = arith.index_cast %parallel_loop3A_305 : i32 to index
      %parallel_loop3A_307 = tpu.vector_load %arg6[%parallel_loop3A_306] {strides = array<i32>} : memref<4352xf32, #tpu.memory_space<vmem>>, vector<16xf32>,
      %parallel_loop3A_308 = arith.constant 17 : i32
      %parallel_loop3A_309 = arith.muli %parallel_loop3A_297, %parallel_loop3A_308 : i32
      %parallel_loop3A_310 = arith.index_cast %parallel_loop3A_309 : i32 to index
      %parallel_loop3A_311 = tpu.vector_load %arg7[%parallel_loop3A_310] {strides = array<i32>} : memref<4352xf32, #tpu.memory_space<vmem>>, vector<16xf32>,
      %parallel_loop3A_312 = arith.subf %parallel_loop3A_307, %parallel_loop3A_298 : vector<16xf32>
      %parallel_loop3A_313 = arith.constant 0.000000e+00 : f32
      %parallel_loop3A_314 = vector.broadcast %parallel_loop3A_313 : f32 to vector<16xf32>
      %parallel_loop3A_315 = arith.cmpf ogt, %parallel_loop3A_312, %parallel_loop3A_314 : vector<16xf32>
      %parallel_loop3A_316 = arith.subf %parallel_loop3A_311, %parallel_loop3A_299 : vector<16xf32>
      %parallel_loop3A_317 = arith.constant 0.000000e+00 : f32
      %parallel_loop3A_318 = vector.broadcast %parallel_loop3A_317 : f32 to vector<16xf32>
      %parallel_loop3A_319 = arith.cmpf ogt, %parallel_loop3A_316, %parallel_loop3A_318 : vector<16xf32>
      %parallel_loop3A_320 = arith.select %parallel_loop3A_319, %broadcast_in_dim3A_13, %parallel_loop3A_300 : vector<16xi1>, vector<16xi32>
      %parallel_loop3A_321 = arith.select %parallel_loop3A_315, %broadcast_in_dim3A_11, %parallel_loop3A_320 : vector<16xi1>, vector<16xi32>
      %parallel_loop3A_322 = arith.ori %parallel_loop3A_315, %parallel_loop3A_319 : vector<16xi1>
      %parallel_loop3A_323 = arith.select %parallel_loop3A_322, %broadcast_in_dim3A_11, %parallel_loop3A_301 : vector<16xi1>, vector<16xi32>
      %parallel_loop3A_324 = arith.select %parallel_loop3A_315, %broadcast_in_dim3A_11, %parallel_loop3A_302 : vector<16xi1>, vector<16xi32>
      %parallel_loop3A_325 = arith.select %parallel_loop3A_319, %broadcast_in_dim3A_11, %parallel_loop3A_303 : vector<16xi1>, vector<16xi32>
      scf.yield %parallel_loop3A_307, %parallel_loop3A_311, %parallel_loop3A_321, %parallel_loop3A_323, %parallel_loop3A_324, %parallel_loop3A_325 : vector<16xf32>, vector<16xf32>, vector<16xi32>, vector<16xi32>, vector<16xi32>, vector<16xi32>
    } {sc.loop_unroll_factor = 4 : i64, sc.parallel_access}
    %reduce_max3A = arith.constant true
    %reduce_max3A_36 = vector.broadcast %reduce_max3A : i1 to vector<16xi1>
    %reduce_max3A_37 = arith.constant -2147483648 : i32
    %reduce_max3A_38 = vector.broadcast %reduce_max3A_37 : i32 to vector<16xi32>
    %reduce_max3A_39 = arith.xori %parallel_loop3A_35#4, %reduce_max3A_38 : vector<16xi32>
    %reduce_max3A_40 = tpu.scan <max>, %reduce_max3A_39 masked %reduce_max3A_36 : vector<16xi32>, vector<16xi1> -> vector<16xi32>
    %reduce_max3A_41 = arith.xori %reduce_max3A_40, %reduce_max3A_38 : vector<16xi32>
    %reduce_max3A_42 = vector.extract %reduce_max3A_41[15] : i32 from vector<16xi32>
    %gt3A = arith.constant 0 : i32
    %gt3A_43 = arith.cmpi sgt, %reduce_max3A_42, %gt3A : i32
    %reduce_max3A_44 = arith.constant true
    %reduce_max3A_45 = vector.broadcast %reduce_max3A_44 : i1 to vector<16xi1>
    %reduce_max3A_46 = arith.constant -2147483648 : i32
    %reduce_max3A_47 = vector.broadcast %reduce_max3A_46 : i32 to vector<16xi32>
    %reduce_max3A_48 = arith.xori %parallel_loop3A_35#5, %reduce_max3A_47 : vector<16xi32>
    %reduce_max3A_49 = tpu.scan <max>, %reduce_max3A_48 masked %reduce_max3A_45 : vector<16xi32>, vector<16xi1> -> vector<16xi32>
    %reduce_max3A_50 = arith.xori %reduce_max3A_49, %reduce_max3A_47 : vector<16xi32>
    %reduce_max3A_51 = vector.extract %reduce_max3A_50[15] : i32 from vector<16xi32>
    %gt3A_52 = arith.constant 0 : i32
    %gt3A_53 = arith.cmpi sgt, %reduce_max3A_51, %gt3A_52 : i32
    %and3A = arith.andi %gt3A_43, %gt3A_53 : i1
    %jit3A = arith.constant 1.000000e+00 : f32
    %jit3A_54 = arith.constant 0.000000e+00 : f32
    %select_n3A = arith.select %and3A, %jit3A, %jit3A_54 : f32
    %gt3A_55 = arith.constant 0 : i32
    %gt3A_56 = vector.broadcast %gt3A_55 : i32 to vector<16xi32>
    %gt3A_57 = arith.cmpi sgt, %parallel_loop3A_35#3, %gt3A_56 : vector<16xi32>
    %mul3A_58 = arith.constant 2 : i32
    %mul3A_59 = vector.broadcast %mul3A_58 : i32 to vector<16xi32>
    %mul3A_60 = arith.muli %iota3A, %mul3A_59 : vector<16xi32>
    %add3A_61 = arith.addi %mul3A_60, %parallel_loop3A_35#2 : vector<16xi32>
    %neg3A = arith.constant 0 : i32
    %neg3A_62 = vector.broadcast %neg3A : i32 to vector<16xi32>
    %neg3A_63 = arith.subi %neg3A_62, %broadcast_in_dim3A_11 : vector<16xi32>
    %select_n3A_64 = arith.select %gt3A_57, %add3A_61, %neg3A_63 : vector<16xi1>, vector<16xi32>
    %broadcast_in_dim3A_65 = arith.constant true
    %broadcast_in_dim3A_66 = vector.broadcast %broadcast_in_dim3A_65 : i1 to vector<16xi1>
    %masked_cummax3A = arith.constant -2147483648 : i32
    %masked_cummax3A_67 = vector.broadcast %masked_cummax3A : i32 to vector<16xi32>
    %masked_cummax3A_68 = arith.xori %select_n3A_64, %masked_cummax3A_67 : vector<16xi32>
    %masked_cummax3A_69 = tpu.scan <max>, %masked_cummax3A_68 masked %broadcast_in_dim3A_66 : vector<16xi32>, vector<16xi1> -> vector<16xi32>
    %masked_cummax3A_70 = arith.xori %masked_cummax3A_69, %masked_cummax3A_67 : vector<16xi32>
    %neg3A_71 = arith.constant 0 : i32
    %neg3A_72 = vector.broadcast %neg3A_71 : i32 to vector<16xi32>
    %neg3A_73 = arith.subi %neg3A_72, %broadcast_in_dim3A_11 : vector<16xi32>
    %swap3A = arith.constant 0 : index
    %swap3A_74 = tpu.vector_load %arg11[%swap3A] {strides = array<i32>} : memref<32xi32, #tpu.memory_space<vmem>>, vector<16xi32>,
    tpu.vector_store %arg11[%swap3A], %neg3A_73 {strides = array<i32>} : memref<32xi32, #tpu.memory_space<vmem>>, vector<16xi32>,
    %swap3A_75 = arith.constant 1 : index
    %swap3A_76 = tpu.vector_load %arg11[%swap3A_75] {strides = array<i32>} : memref<32xi32, #tpu.memory_space<vmem>>, vector<16xi32>,
    tpu.vector_store %arg11[%swap3A_75], %masked_cummax3A_70 {strides = array<i32>} : memref<32xi32, #tpu.memory_space<vmem>>, vector<16xi32>,
    %get3A_77 = arith.constant 0 : index
    %get3A_78 = tpu.vector_load %arg11[%get3A_77] {strides = array<i32>} : memref<32xi32, #tpu.memory_space<vmem>>, vector<16xi32>,
    %ge3A = arith.constant 0 : i32
    %ge3A_79 = vector.broadcast %ge3A : i32 to vector<16xi32>
    %ge3A_80 = arith.cmpi sge, %get3A_78, %ge3A_79 : vector<16xi32>
    %jit3A_81 = arith.constant 2 : i32
    %eq3A = arith.constant 0 : i32
    %eq3A_82 = arith.cmpi eq, %jit3A_81, %eq3A : i32
    %jit3A_83 = arith.constant 1 : i32
    %select_n3A_84 = arith.select %eq3A_82, %jit3A_83, %jit3A_81 : i32
    %rem3A = vector.broadcast %select_n3A_84 : i32 to vector<16xi32>
    %rem3A_85 = arith.remsi %get3A_78, %rem3A : vector<16xi32>
    %ne3A = arith.constant 0 : i32
    %ne3A_86 = vector.broadcast %ne3A : i32 to vector<16xi32>
    %ne3A_87 = arith.cmpi ne, %rem3A_85, %ne3A_86 : vector<16xi32>
    %lt3A = arith.constant 0 : i32
    %lt3A_88 = vector.broadcast %lt3A : i32 to vector<16xi32>
    %lt3A_89 = arith.cmpi slt, %rem3A_85, %lt3A_88 : vector<16xi32>
    %lt3A_90 = arith.constant 0 : i32
    %lt3A_91 = arith.cmpi slt, %select_n3A_84, %lt3A_90 : i32
    %ne3A_92 = vector.broadcast %lt3A_91 : i1 to vector<16xi1>
    %ne3A_93 = vector.broadcast %ne3A_92 : vector<16xi1> to vector<16xi1>
    %ne3A_94 = arith.xori %lt3A_89, %ne3A_93 : vector<16xi1>
    %and3A_95 = arith.andi %ne3A_94, %ne3A_87 : vector<16xi1>
    %add3A_96 = vector.broadcast %select_n3A_84 : i32 to vector<16xi32>
    %add3A_97 = arith.addi %rem3A_85, %add3A_96 : vector<16xi32>
    %select_n3A_98 = arith.select %and3A_95, %add3A_97, %rem3A_85 : vector<16xi1>, vector<16xi32>
    %convert_element_type3A = arith.sitofp %select_n3A_98 : vector<16xi32> to vector<16xf32>
    %select_n3A_99 = arith.select %ge3A_80, %convert_element_type3A, %broadcast_in_dim3A_17 : vector<16xi1>, vector<16xf32>
    %parallel_loop3A_100 = arith.constant 0 : i32
    %parallel_loop3A_101 = arith.constant 256 : i32
    %parallel_loop3A_102 = arith.constant 1 : i32
    %parallel_loop3A_103:10 = scf.for %parallel_loop3A_297 = %parallel_loop3A_100 to %parallel_loop3A_101 step %parallel_loop3A_102 iter_args(%parallel_loop3A_298 = %get3A_29, %parallel_loop3A_299 = %get3A_31, %parallel_loop3A_300 = %select_n3A_99, %parallel_loop3A_301 = %broadcast_in_dim3A_17, %parallel_loop3A_302 = %broadcast_in_dim3A_17, %parallel_loop3A_303 = %broadcast_in_dim3A_17, %parallel_loop3A_304 = %broadcast_in_dim3A_17, %parallel_loop3A_305 = %broadcast_in_dim3A_17, %parallel_loop3A_306 = %broadcast_in_dim3A_17, %parallel_loop3A_307 = %broadcast_in_dim3A_17) -> (vector<16xf32>, vector<16xf32>, vector<16xf32>, vector<16xf32>, vector<16xf32>, vector<16xf32>, vector<16xf32>, vector<16xf32>, vector<16xf32>, vector<16xf32>)  : i32 {
      %parallel_loop3A_308 = arith.constant 17 : i32
      %parallel_loop3A_309 = arith.muli %parallel_loop3A_297, %parallel_loop3A_308 : i32
      %parallel_loop3A_310 = arith.index_cast %parallel_loop3A_309 : i32 to index
      %parallel_loop3A_311 = tpu.vector_load %arg6[%parallel_loop3A_310] {strides = array<i32>} : memref<4352xf32, #tpu.memory_space<vmem>>, vector<16xf32>,
      %parallel_loop3A_312 = arith.constant 17 : i32
      %parallel_loop3A_313 = arith.muli %parallel_loop3A_297, %parallel_loop3A_312 : i32
      %parallel_loop3A_314 = arith.index_cast %parallel_loop3A_313 : i32 to index
      %parallel_loop3A_315 = tpu.vector_load %arg7[%parallel_loop3A_314] {strides = array<i32>} : memref<4352xf32, #tpu.memory_space<vmem>>, vector<16xf32>,
      %parallel_loop3A_316 = arith.subf %parallel_loop3A_311, %parallel_loop3A_298 : vector<16xf32>
      %parallel_loop3A_317 = arith.constant 0.000000e+00 : f32
      %parallel_loop3A_318 = vector.broadcast %parallel_loop3A_317 : f32 to vector<16xf32>
      %parallel_loop3A_319 = arith.cmpf ogt, %parallel_loop3A_316, %parallel_loop3A_318 : vector<16xf32>
      %parallel_loop3A_320 = arith.subf %parallel_loop3A_315, %parallel_loop3A_299 : vector<16xf32>
      %parallel_loop3A_321 = arith.constant 0.000000e+00 : f32
      %parallel_loop3A_322 = vector.broadcast %parallel_loop3A_321 : f32 to vector<16xf32>
      %parallel_loop3A_323 = arith.cmpf ogt, %parallel_loop3A_320, %parallel_loop3A_322 : vector<16xf32>
      %parallel_loop3A_324 = arith.select %parallel_loop3A_323, %broadcast_in_dim3A_17, %parallel_loop3A_300 : vector<16xi1>, vector<16xf32>
      %parallel_loop3A_325 = arith.select %parallel_loop3A_319, %broadcast_in_dim3A_15, %parallel_loop3A_324 : vector<16xi1>, vector<16xf32>
      %parallel_loop3A_326 = arith.constant 17 : i32
      %parallel_loop3A_327 = arith.muli %parallel_loop3A_297, %parallel_loop3A_326 : i32
      %parallel_loop3A_328 = arith.index_cast %parallel_loop3A_327 : i32 to index
      %parallel_loop3A_329 = tpu.vector_load %arg8[%parallel_loop3A_328] {strides = array<i32>} : memref<4352xf32, #tpu.memory_space<vmem>>, vector<16xf32>,
      tpu.vector_store %arg8[%parallel_loop3A_328], %parallel_loop3A_325 {strides = array<i32>} : memref<4352xf32, #tpu.memory_space<vmem>>, vector<16xf32>,
      %parallel_loop3A_330 = arith.maximumf %parallel_loop3A_325, %parallel_loop3A_301 : vector<16xf32>
      %parallel_loop3A_331 = arith.maximumf %parallel_loop3A_330, %parallel_loop3A_303 : vector<16xf32>
      %parallel_loop3A_332 = arith.maximumf %parallel_loop3A_331, %parallel_loop3A_307 : vector<16xf32>
      %parallel_loop3A_333 = vector.broadcast %select_n3A : f32 to vector<16xf32>
      %parallel_loop3A_334 = arith.mulf %parallel_loop3A_332, %parallel_loop3A_333 : vector<16xf32>
      %parallel_loop3A_335 = arith.constant 17 : i32
      %parallel_loop3A_336 = arith.muli %parallel_loop3A_297, %parallel_loop3A_335 : i32
      %parallel_loop3A_337 = arith.index_cast %parallel_loop3A_336 : i32 to index
      %parallel_loop3A_338 = tpu.vector_load %arg9[%parallel_loop3A_337] {strides = array<i32>} : memref<4403xf32, #tpu.memory_space<vmem>>, vector<16xf32>,
      tpu.vector_store %arg9[%parallel_loop3A_337], %parallel_loop3A_334 {strides = array<i32>} : memref<4403xf32, #tpu.memory_space<vmem>>, vector<16xf32>,
      scf.yield %parallel_loop3A_311, %parallel_loop3A_315, %parallel_loop3A_325, %parallel_loop3A_325, %parallel_loop3A_330, %parallel_loop3A_302, %parallel_loop3A_331, %parallel_loop3A_304, %parallel_loop3A_305, %parallel_loop3A_306 : vector<16xf32>, vector<16xf32>, vector<16xf32>, vector<16xf32>, vector<16xf32>, vector<16xf32>, vector<16xf32>, vector<16xf32>, vector<16xf32>, vector<16xf32>
    } {sc.loop_unroll_factor = 4 : i64, sc.parallel_access}
    %get3A_104 = arith.constant 4283 : index
    %get3A_105 = tpu.vector_load %arg8[%get3A_104] {strides = array<i32>} : memref<4352xf32, #tpu.memory_space<vmem>>, vector<16xf32>,
    %get3A_106 = arith.constant 4300 : index
    %get3A_107 = tpu.vector_load %arg8[%get3A_106] {strides = array<i32>} : memref<4352xf32, #tpu.memory_space<vmem>>, vector<16xf32>,
    %max3A = arith.maximumf %get3A_105, %get3A_107 : vector<16xf32>
    %get3A_108 = arith.constant 4317 : index
    %get3A_109 = tpu.vector_load %arg8[%get3A_108] {strides = array<i32>} : memref<4352xf32, #tpu.memory_space<vmem>>, vector<16xf32>,
    %max3A_110 = arith.maximumf %max3A, %get3A_109 : vector<16xf32>
    %get3A_111 = arith.constant 4334 : index
    %get3A_112 = tpu.vector_load %arg8[%get3A_111] {strides = array<i32>} : memref<4352xf32, #tpu.memory_space<vmem>>, vector<16xf32>,
    %max3A_113 = arith.maximumf %max3A_110, %get3A_112 : vector<16xf32>
    %get3A_114 = arith.constant 0 : index
    %get3A_115 = tpu.vector_load %arg8[%get3A_114] {strides = array<i32>} : memref<4352xf32, #tpu.memory_space<vmem>>, vector<16xf32>,
    %max3A_116 = arith.maximumf %max3A_113, %get3A_115 : vector<16xf32>
    %get3A_117 = arith.constant 17 : index
    %get3A_118 = tpu.vector_load %arg8[%get3A_117] {strides = array<i32>} : memref<4352xf32, #tpu.memory_space<vmem>>, vector<16xf32>,
    %max3A_119 = arith.maximumf %max3A_116, %get3A_118 : vector<16xf32>
    %get3A_120 = arith.constant 34 : index
    %get3A_121 = tpu.vector_load %arg8[%get3A_120] {strides = array<i32>} : memref<4352xf32, #tpu.memory_space<vmem>>, vector<16xf32>,
    %max3A_122 = arith.maximumf %max3A_119, %get3A_121 : vector<16xf32>
    %get3A_123 = arith.constant 51 : index
    %get3A_124 = tpu.vector_load %arg8[%get3A_123] {strides = array<i32>} : memref<4352xf32, #tpu.memory_space<vmem>>, vector<16xf32>,
    %max3A_125 = arith.maximumf %max3A_122, %get3A_124 : vector<16xf32>
    %mul3A_126 = vector.broadcast %select_n3A : f32 to vector<16xf32>
    %mul3A_127 = arith.mulf %max3A_125, %mul3A_126 : vector<16xf32>
    %swap3A_128 = arith.constant 51 : index
    %swap3A_129 = tpu.vector_load %arg9[%swap3A_128] {strides = array<i32>} : memref<4403xf32, #tpu.memory_space<vmem>>, vector<16xf32>,
    tpu.vector_store %arg9[%swap3A_128], %mul3A_127 {strides = array<i32>} : memref<4403xf32, #tpu.memory_space<vmem>>, vector<16xf32>,
    %get3A_130 = arith.constant 4300 : index
    %get3A_131 = tpu.vector_load %arg8[%get3A_130] {strides = array<i32>} : memref<4352xf32, #tpu.memory_space<vmem>>, vector<16xf32>,
    %get3A_132 = arith.constant 4317 : index
    %get3A_133 = tpu.vector_load %arg8[%get3A_132] {strides = array<i32>} : memref<4352xf32, #tpu.memory_space<vmem>>, vector<16xf32>,
    %max3A_134 = arith.maximumf %get3A_131, %get3A_133 : vector<16xf32>
    %get3A_135 = arith.constant 4334 : index
    %get3A_136 = tpu.vector_load %arg8[%get3A_135] {strides = array<i32>} : memref<4352xf32, #tpu.memory_space<vmem>>, vector<16xf32>,
    %max3A_137 = arith.maximumf %max3A_134, %get3A_136 : vector<16xf32>
    %get3A_138 = arith.constant 0 : index
    %get3A_139 = tpu.vector_load %arg8[%get3A_138] {strides = array<i32>} : memref<4352xf32, #tpu.memory_space<vmem>>, vector<16xf32>,
    %max3A_140 = arith.maximumf %max3A_137, %get3A_139 : vector<16xf32>
    %get3A_141 = arith.constant 17 : index
    %get3A_142 = tpu.vector_load %arg8[%get3A_141] {strides = array<i32>} : memref<4352xf32, #tpu.memory_space<vmem>>, vector<16xf32>,
    %max3A_143 = arith.maximumf %max3A_140, %get3A_142 : vector<16xf32>
    %get3A_144 = arith.constant 34 : index
    %get3A_145 = tpu.vector_load %arg8[%get3A_144] {strides = array<i32>} : memref<4352xf32, #tpu.memory_space<vmem>>, vector<16xf32>,
    %max3A_146 = arith.maximumf %max3A_143, %get3A_145 : vector<16xf32>
    %get3A_147 = arith.constant 51 : index
    %get3A_148 = tpu.vector_load %arg8[%get3A_147] {strides = array<i32>} : memref<4352xf32, #tpu.memory_space<vmem>>, vector<16xf32>,
    %max3A_149 = arith.maximumf %max3A_146, %get3A_148 : vector<16xf32>
    %get3A_150 = arith.constant 68 : index
    %get3A_151 = tpu.vector_load %arg8[%get3A_150] {strides = array<i32>} : memref<4352xf32, #tpu.memory_space<vmem>>, vector<16xf32>,
    %max3A_152 = arith.maximumf %max3A_149, %get3A_151 : vector<16xf32>
    %mul3A_153 = vector.broadcast %select_n3A : f32 to vector<16xf32>
    %mul3A_154 = arith.mulf %max3A_152, %mul3A_153 : vector<16xf32>
    %swap3A_155 = arith.constant 68 : index
    %swap3A_156 = tpu.vector_load %arg9[%swap3A_155] {strides = array<i32>} : memref<4403xf32, #tpu.memory_space<vmem>>, vector<16xf32>,
    tpu.vector_store %arg9[%swap3A_155], %mul3A_154 {strides = array<i32>} : memref<4403xf32, #tpu.memory_space<vmem>>, vector<16xf32>,
    %get3A_157 = arith.constant 4317 : index
    %get3A_158 = tpu.vector_load %arg8[%get3A_157] {strides = array<i32>} : memref<4352xf32, #tpu.memory_space<vmem>>, vector<16xf32>,
    %get3A_159 = arith.constant 4334 : index
    %get3A_160 = tpu.vector_load %arg8[%get3A_159] {strides = array<i32>} : memref<4352xf32, #tpu.memory_space<vmem>>, vector<16xf32>,
    %max3A_161 = arith.maximumf %get3A_158, %get3A_160 : vector<16xf32>
    %get3A_162 = arith.constant 0 : index
    %get3A_163 = tpu.vector_load %arg8[%get3A_162] {strides = array<i32>} : memref<4352xf32, #tpu.memory_space<vmem>>, vector<16xf32>,
    %max3A_164 = arith.maximumf %max3A_161, %get3A_163 : vector<16xf32>
    %get3A_165 = arith.constant 17 : index
    %get3A_166 = tpu.vector_load %arg8[%get3A_165] {strides = array<i32>} : memref<4352xf32, #tpu.memory_space<vmem>>, vector<16xf32>,
    %max3A_167 = arith.maximumf %max3A_164, %get3A_166 : vector<16xf32>
    %get3A_168 = arith.constant 34 : index
    %get3A_169 = tpu.vector_load %arg8[%get3A_168] {strides = array<i32>} : memref<4352xf32, #tpu.memory_space<vmem>>, vector<16xf32>,
    %max3A_170 = arith.maximumf %max3A_167, %get3A_169 : vector<16xf32>
    %get3A_171 = arith.constant 51 : index
    %get3A_172 = tpu.vector_load %arg8[%get3A_171] {strides = array<i32>} : memref<4352xf32, #tpu.memory_space<vmem>>, vector<16xf32>,
    %max3A_173 = arith.maximumf %max3A_170, %get3A_172 : vector<16xf32>
    %get3A_174 = arith.constant 68 : index
    %get3A_175 = tpu.vector_load %arg8[%get3A_174] {strides = array<i32>} : memref<4352xf32, #tpu.memory_space<vmem>>, vector<16xf32>,
    %max3A_176 = arith.maximumf %max3A_173, %get3A_175 : vector<16xf32>
    %get3A_177 = arith.constant 85 : index
    %get3A_178 = tpu.vector_load %arg8[%get3A_177] {strides = array<i32>} : memref<4352xf32, #tpu.memory_space<vmem>>, vector<16xf32>,
    %max3A_179 = arith.maximumf %max3A_176, %get3A_178 : vector<16xf32>
    %mul3A_180 = vector.broadcast %select_n3A : f32 to vector<16xf32>
    %mul3A_181 = arith.mulf %max3A_179, %mul3A_180 : vector<16xf32>
    %swap3A_182 = arith.constant 85 : index
    %swap3A_183 = tpu.vector_load %arg9[%swap3A_182] {strides = array<i32>} : memref<4403xf32, #tpu.memory_space<vmem>>, vector<16xf32>,
    tpu.vector_store %arg9[%swap3A_182], %mul3A_181 {strides = array<i32>} : memref<4403xf32, #tpu.memory_space<vmem>>, vector<16xf32>,
    %get3A_184 = arith.constant 4334 : index
    %get3A_185 = tpu.vector_load %arg8[%get3A_184] {strides = array<i32>} : memref<4352xf32, #tpu.memory_space<vmem>>, vector<16xf32>,
    %get3A_186 = arith.constant 0 : index
    %get3A_187 = tpu.vector_load %arg8[%get3A_186] {strides = array<i32>} : memref<4352xf32, #tpu.memory_space<vmem>>, vector<16xf32>,
    %max3A_188 = arith.maximumf %get3A_185, %get3A_187 : vector<16xf32>
    %get3A_189 = arith.constant 17 : index
    %get3A_190 = tpu.vector_load %arg8[%get3A_189] {strides = array<i32>} : memref<4352xf32, #tpu.memory_space<vmem>>, vector<16xf32>,
    %max3A_191 = arith.maximumf %max3A_188, %get3A_190 : vector<16xf32>
    %get3A_192 = arith.constant 34 : index
    %get3A_193 = tpu.vector_load %arg8[%get3A_192] {strides = array<i32>} : memref<4352xf32, #tpu.memory_space<vmem>>, vector<16xf32>,
    %max3A_194 = arith.maximumf %max3A_191, %get3A_193 : vector<16xf32>
    %get3A_195 = arith.constant 51 : index
    %get3A_196 = tpu.vector_load %arg8[%get3A_195] {strides = array<i32>} : memref<4352xf32, #tpu.memory_space<vmem>>, vector<16xf32>,
    %max3A_197 = arith.maximumf %max3A_194, %get3A_196 : vector<16xf32>
    %get3A_198 = arith.constant 68 : index
    %get3A_199 = tpu.vector_load %arg8[%get3A_198] {strides = array<i32>} : memref<4352xf32, #tpu.memory_space<vmem>>, vector<16xf32>,
    %max3A_200 = arith.maximumf %max3A_197, %get3A_199 : vector<16xf32>
    %get3A_201 = arith.constant 85 : index
    %get3A_202 = tpu.vector_load %arg8[%get3A_201] {strides = array<i32>} : memref<4352xf32, #tpu.memory_space<vmem>>, vector<16xf32>,
    %max3A_203 = arith.maximumf %max3A_200, %get3A_202 : vector<16xf32>
    %get3A_204 = arith.constant 102 : index
    %get3A_205 = tpu.vector_load %arg8[%get3A_204] {strides = array<i32>} : memref<4352xf32, #tpu.memory_space<vmem>>, vector<16xf32>,
    %max3A_206 = arith.maximumf %max3A_203, %get3A_205 : vector<16xf32>
    %mul3A_207 = vector.broadcast %select_n3A : f32 to vector<16xf32>
    %mul3A_208 = arith.mulf %max3A_206, %mul3A_207 : vector<16xf32>
    %swap3A_209 = arith.constant 102 : index
    %swap3A_210 = tpu.vector_load %arg9[%swap3A_209] {strides = array<i32>} : memref<4403xf32, #tpu.memory_space<vmem>>, vector<16xf32>,
    tpu.vector_store %arg9[%swap3A_209], %mul3A_208 {strides = array<i32>} : memref<4403xf32, #tpu.memory_space<vmem>>, vector<16xf32>,
    %get3A_211 = arith.constant 4233 : index
    %get3A_212 = tpu.vector_load %arg8[%get3A_211] {strides = array<i32>} : memref<4352xf32, #tpu.memory_space<vmem>>, vector<16xf32>,
    %get3A_213 = arith.constant 4250 : index
    %get3A_214 = tpu.vector_load %arg8[%get3A_213] {strides = array<i32>} : memref<4352xf32, #tpu.memory_space<vmem>>, vector<16xf32>,
    %max3A_215 = arith.maximumf %get3A_212, %get3A_214 : vector<16xf32>
    %get3A_216 = arith.constant 4267 : index
    %get3A_217 = tpu.vector_load %arg8[%get3A_216] {strides = array<i32>} : memref<4352xf32, #tpu.memory_space<vmem>>, vector<16xf32>,
    %max3A_218 = arith.maximumf %max3A_215, %get3A_217 : vector<16xf32>
    %get3A_219 = arith.constant 4284 : index
    %get3A_220 = tpu.vector_load %arg8[%get3A_219] {strides = array<i32>} : memref<4352xf32, #tpu.memory_space<vmem>>, vector<16xf32>,
    %max3A_221 = arith.maximumf %max3A_218, %get3A_220 : vector<16xf32>
    %get3A_222 = arith.constant 4301 : index
    %get3A_223 = tpu.vector_load %arg8[%get3A_222] {strides = array<i32>} : memref<4352xf32, #tpu.memory_space<vmem>>, vector<16xf32>,
    %max3A_224 = arith.maximumf %max3A_221, %get3A_223 : vector<16xf32>
    %get3A_225 = arith.constant 4318 : index
    %get3A_226 = tpu.vector_load %arg8[%get3A_225] {strides = array<i32>} : memref<4352xf32, #tpu.memory_space<vmem>>, vector<16xf32>,
    %max3A_227 = arith.maximumf %max3A_224, %get3A_226 : vector<16xf32>
    %get3A_228 = arith.constant 4335 : index
    %get3A_229 = tpu.vector_load %arg8[%get3A_228] {strides = array<i32>} : memref<4352xf32, #tpu.memory_space<vmem>>, vector<16xf32>,
    %max3A_230 = arith.maximumf %max3A_227, %get3A_229 : vector<16xf32>
    %get3A_231 = arith.constant 1 : index
    %get3A_232 = tpu.vector_load %arg8[%get3A_231] {strides = array<i32>} : memref<4352xf32, #tpu.memory_space<vmem>>, vector<16xf32>,
    %max3A_233 = arith.maximumf %max3A_230, %get3A_232 : vector<16xf32>
    %mul3A_234 = vector.broadcast %select_n3A : f32 to vector<16xf32>
    %mul3A_235 = arith.mulf %max3A_233, %mul3A_234 : vector<16xf32>
    %swap3A_236 = arith.constant 4352 : index
    %swap3A_237 = tpu.vector_load %arg9[%swap3A_236] {strides = array<i32>} : memref<4403xf32, #tpu.memory_space<vmem>>, vector<16xf32>,
    tpu.vector_store %arg9[%swap3A_236], %mul3A_235 {strides = array<i32>} : memref<4403xf32, #tpu.memory_space<vmem>>, vector<16xf32>,
    %get3A_238 = arith.constant 4250 : index
    %get3A_239 = tpu.vector_load %arg8[%get3A_238] {strides = array<i32>} : memref<4352xf32, #tpu.memory_space<vmem>>, vector<16xf32>,
    %get3A_240 = arith.constant 4267 : index
    %get3A_241 = tpu.vector_load %arg8[%get3A_240] {strides = array<i32>} : memref<4352xf32, #tpu.memory_space<vmem>>, vector<16xf32>,
    %max3A_242 = arith.maximumf %get3A_239, %get3A_241 : vector<16xf32>
    %get3A_243 = arith.constant 4284 : index
    %get3A_244 = tpu.vector_load %arg8[%get3A_243] {strides = array<i32>} : memref<4352xf32, #tpu.memory_space<vmem>>, vector<16xf32>,
    %max3A_245 = arith.maximumf %max3A_242, %get3A_244 : vector<16xf32>
    %get3A_246 = arith.constant 4301 : index
    %get3A_247 = tpu.vector_load %arg8[%get3A_246] {strides = array<i32>} : memref<4352xf32, #tpu.memory_space<vmem>>, vector<16xf32>,
    %max3A_248 = arith.maximumf %max3A_245, %get3A_247 : vector<16xf32>
    %get3A_249 = arith.constant 4318 : index
    %get3A_250 = tpu.vector_load %arg8[%get3A_249] {strides = array<i32>} : memref<4352xf32, #tpu.memory_space<vmem>>, vector<16xf32>,
    %max3A_251 = arith.maximumf %max3A_248, %get3A_250 : vector<16xf32>
    %get3A_252 = arith.constant 4335 : index
    %get3A_253 = tpu.vector_load %arg8[%get3A_252] {strides = array<i32>} : memref<4352xf32, #tpu.memory_space<vmem>>, vector<16xf32>,
    %max3A_254 = arith.maximumf %max3A_251, %get3A_253 : vector<16xf32>
    %get3A_255 = arith.constant 1 : index
    %get3A_256 = tpu.vector_load %arg8[%get3A_255] {strides = array<i32>} : memref<4352xf32, #tpu.memory_space<vmem>>, vector<16xf32>,
    %max3A_257 = arith.maximumf %max3A_254, %get3A_256 : vector<16xf32>
    %get3A_258 = arith.constant 18 : index
    %get3A_259 = tpu.vector_load %arg8[%get3A_258] {strides = array<i32>} : memref<4352xf32, #tpu.memory_space<vmem>>, vector<16xf32>,
    %max3A_260 = arith.maximumf %max3A_257, %get3A_259 : vector<16xf32>
    %mul3A_261 = vector.broadcast %select_n3A : f32 to vector<16xf32>
    %mul3A_262 = arith.mulf %max3A_260, %mul3A_261 : vector<16xf32>
    %swap3A_263 = arith.constant 4369 : index
    %swap3A_264 = tpu.vector_load %arg9[%swap3A_263] {strides = array<i32>} : memref<4403xf32, #tpu.memory_space<vmem>>, vector<16xf32>,
    tpu.vector_store %arg9[%swap3A_263], %mul3A_262 {strides = array<i32>} : memref<4403xf32, #tpu.memory_space<vmem>>, vector<16xf32>,
    %get3A_265 = arith.constant 4267 : index
    %get3A_266 = tpu.vector_load %arg8[%get3A_265] {strides = array<i32>} : memref<4352xf32, #tpu.memory_space<vmem>>, vector<16xf32>,
    %get3A_267 = arith.constant 4284 : index
    %get3A_268 = tpu.vector_load %arg8[%get3A_267] {strides = array<i32>} : memref<4352xf32, #tpu.memory_space<vmem>>, vector<16xf32>,
    %max3A_269 = arith.maximumf %get3A_266, %get3A_268 : vector<16xf32>
    %get3A_270 = arith.constant 4301 : index
    %get3A_271 = tpu.vector_load %arg8[%get3A_270] {strides = array<i32>} : memref<4352xf32, #tpu.memory_space<vmem>>, vector<16xf32>,
    %max3A_272 = arith.maximumf %max3A_269, %get3A_271 : vector<16xf32>
    %get3A_273 = arith.constant 4318 : index
    %get3A_274 = tpu.vector_load %arg8[%get3A_273] {strides = array<i32>} : memref<4352xf32, #tpu.memory_space<vmem>>, vector<16xf32>,
    %max3A_275 = arith.maximumf %max3A_272, %get3A_274 : vector<16xf32>
    %get3A_276 = arith.constant 4335 : index
    %get3A_277 = tpu.vector_load %arg8[%get3A_276] {strides = array<i32>} : memref<4352xf32, #tpu.memory_space<vmem>>, vector<16xf32>,
    %max3A_278 = arith.maximumf %max3A_275, %get3A_277 : vector<16xf32>
    %get3A_279 = arith.constant 1 : index
    %get3A_280 = tpu.vector_load %arg8[%get3A_279] {strides = array<i32>} : memref<4352xf32, #tpu.memory_space<vmem>>, vector<16xf32>,
    %max3A_281 = arith.maximumf %max3A_278, %get3A_280 : vector<16xf32>
    %get3A_282 = arith.constant 18 : index
    %get3A_283 = tpu.vector_load %arg8[%get3A_282] {strides = array<i32>} : memref<4352xf32, #tpu.memory_space<vmem>>, vector<16xf32>,
    %max3A_284 = arith.maximumf %max3A_281, %get3A_283 : vector<16xf32>
    %get3A_285 = arith.constant 35 : index
    %get3A_286 = tpu.vector_load %arg8[%get3A_285] {strides = array<i32>} : memref<4352xf32, #tpu.memory_space<vmem>>, vector<16xf32>,
    %max3A_287 = arith.maximumf %max3A_284, %get3A_286 : vector<16xf32>
    %mul3A_288 = vector.broadcast %select_n3A : f32 to vector<16xf32>
    %mul3A_289 = arith.mulf %max3A_287, %mul3A_288 : vector<16xf32>
    %swap3A_290 = arith.constant 4386 : index
    %swap3A_291 = tpu.vector_load %arg9[%swap3A_290] {strides = array<i32>} : memref<4403xf32, #tpu.memory_space<vmem>>, vector<16xf32>,
    tpu.vector_store %arg9[%swap3A_290], %mul3A_289 {strides = array<i32>} : memref<4403xf32, #tpu.memory_space<vmem>>, vector<16xf32>,
    %parallel_loop3A_292 = arith.constant 0 : i32
    %parallel_loop3A_293 = arith.constant 256 : i32
    %parallel_loop3A_294 = arith.constant 1 : i32
    scf.for %parallel_loop3A_297 = %parallel_loop3A_292 to %parallel_loop3A_293 step %parallel_loop3A_294  : i32 {
      %parallel_loop3A_298 = arith.constant 16 : i32
      %parallel_loop3A_299 = arith.constant 0 : i32
      %parallel_loop3A_300 = arith.cmpi eq, %parallel_loop3A_298, %parallel_loop3A_299 : i32
      %parallel_loop3A_301 = arith.constant 1 : i32
      %parallel_loop3A_302 = arith.select %parallel_loop3A_300, %parallel_loop3A_301, %parallel_loop3A_298 : i32
      %parallel_loop3A_303 = arith.remsi %parallel_loop3A_297, %parallel_loop3A_302 : i32
      %parallel_loop3A_304 = arith.constant 0 : i32
      %parallel_loop3A_305 = arith.cmpi ne, %parallel_loop3A_303, %parallel_loop3A_304 : i32
      %parallel_loop3A_306 = arith.constant 0 : i32
      %parallel_loop3A_307 = arith.cmpi slt, %parallel_loop3A_303, %parallel_loop3A_306 : i32
      %parallel_loop3A_308 = arith.constant 0 : i32
      %parallel_loop3A_309 = arith.cmpi slt, %parallel_loop3A_302, %parallel_loop3A_308 : i32
      %parallel_loop3A_310 = arith.xori %parallel_loop3A_307, %parallel_loop3A_309 : i1
      %parallel_loop3A_311 = arith.andi %parallel_loop3A_310, %parallel_loop3A_305 : i1
      %parallel_loop3A_312 = arith.addi %parallel_loop3A_303, %parallel_loop3A_302 : i32
      %parallel_loop3A_313 = arith.select %parallel_loop3A_311, %parallel_loop3A_312, %parallel_loop3A_303 : i32
      %parallel_loop3A_314 = arith.constant 272 : i32
      %parallel_loop3A_315 = arith.muli %parallel_loop3A_313, %parallel_loop3A_314 : i32
      %parallel_loop3A_316 = arith.constant 16 : i32
      %parallel_loop3A_317 = arith.divsi %parallel_loop3A_297, %parallel_loop3A_316 : i32
      %parallel_loop3A_318 = arith.constant 0 : i32
      %parallel_loop3A_319 = arith.cmpi sgt, %parallel_loop3A_297, %parallel_loop3A_318 : i32
      %parallel_loop3A_320 = arith.extui %parallel_loop3A_319 : i1 to i32
      %parallel_loop3A_321 = arith.constant 0 : i32
      %parallel_loop3A_322 = arith.cmpi slt, %parallel_loop3A_297, %parallel_loop3A_321 : i32
      %parallel_loop3A_323 = arith.extui %parallel_loop3A_322 : i1 to i32
      %parallel_loop3A_324 = arith.subi %parallel_loop3A_320, %parallel_loop3A_323 : i32
      %parallel_loop3A_325 = arith.constant 0 : i32
      %parallel_loop3A_326 = arith.cmpi sgt, %parallel_loop3A_316, %parallel_loop3A_325 : i32
      %parallel_loop3A_327 = arith.extui %parallel_loop3A_326 : i1 to i32
      %parallel_loop3A_328 = arith.constant 0 : i32
      %parallel_loop3A_329 = arith.cmpi slt, %parallel_loop3A_316, %parallel_loop3A_328 : i32
      %parallel_loop3A_330 = arith.extui %parallel_loop3A_329 : i1 to i32
      %parallel_loop3A_331 = arith.subi %parallel_loop3A_327, %parallel_loop3A_330 : i32
      %parallel_loop3A_332 = arith.cmpi ne, %parallel_loop3A_324, %parallel_loop3A_331 : i32
      %parallel_loop3A_333 = arith.remsi %parallel_loop3A_297, %parallel_loop3A_316 : i32
      %parallel_loop3A_334 = arith.constant 0 : i32
      %parallel_loop3A_335 = arith.cmpi ne, %parallel_loop3A_333, %parallel_loop3A_334 : i32
      %parallel_loop3A_336 = arith.andi %parallel_loop3A_332, %parallel_loop3A_335 : i1
      %parallel_loop3A_337 = arith.constant 1 : i32
      %parallel_loop3A_338 = arith.subi %parallel_loop3A_317, %parallel_loop3A_337 : i32
      %parallel_loop3A_339 = arith.select %parallel_loop3A_336, %parallel_loop3A_338, %parallel_loop3A_317 : i32
      %parallel_loop3A_340 = arith.addi %parallel_loop3A_315, %parallel_loop3A_339 : i32
      %parallel_loop3A_341 = arith.constant 51 : i32
      %parallel_loop3A_342 = arith.addi %parallel_loop3A_340, %parallel_loop3A_341 : i32
      %parallel_loop3A_343 = vector.broadcast %parallel_loop3A_342 : i32 to vector<16xi32>
      %parallel_loop3A_344 = arith.addi %mul3A_10, %parallel_loop3A_343 : vector<16xi32>
      %parallel_loop3A_345 = tpu.vector_load_idx %arg9[%parallel_loop3A_344] : memref<4403xf32, #tpu.memory_space<vmem>>[vector<16xi32>], vector<16xf32>,
      %parallel_loop3A_346 = arith.constant 16 : i32
      %parallel_loop3A_347 = arith.muli %parallel_loop3A_297, %parallel_loop3A_346 : i32
      %parallel_loop3A_348 = arith.index_cast %parallel_loop3A_347 : i32 to index
      %parallel_loop3A_349 = tpu.vector_load %arg10[%parallel_loop3A_348] {strides = array<i32>} : memref<4096xf32, #tpu.memory_space<vmem>>, vector<16xf32>,
      tpu.vector_store %arg10[%parallel_loop3A_348], %parallel_loop3A_345 {strides = array<i32>} : memref<4096xf32, #tpu.memory_space<vmem>>, vector<16xf32>,
    } {sc.loop_unroll_factor = 4 : i64, sc.parallel_access}
    %mul3A_295 = arith.constant 4096 : i32
    %mul3A_296 = arith.muli %add3A, %mul3A_295 : i32
    "tpu.region"() ({
      %run_scoped3A = tpu.sem_alloc : memref<!tpu.dma_semaphore, #tpu.memory_space<semaphore_mem>>
      %dma_start3A_297 = tpu.memref_slice %arg3[%mul3A_296] : memref<131072xf32, #tpu.memory_space<hbm>> -> memref<4096xf32, #tpu.memory_space<hbm>>
      %dma_start3A_298 = tpu.memref_slice %arg3[%mul3A_296] : memref<131072xf32, #tpu.memory_space<hbm>> -> memref<4096xf32, #tpu.memory_space<hbm>>
      tpu.enqueue_dma source(%arg10 : memref<4096xf32, #tpu.memory_space<vmem>>) target(%dma_start3A_298 : memref<4096xf32, #tpu.memory_space<hbm>>) target_semaphore(%run_scoped3A : memref<!tpu.dma_semaphore, #tpu.memory_space<semaphore_mem>>)
      %dma_wait3A_299 = tpu.memref_slice %arg3[%mul3A_296] : memref<131072xf32, #tpu.memory_space<hbm>> -> memref<4096xf32, #tpu.memory_space<hbm>>
      %dma_wait3A_300 = tpu.memref_slice %arg3[%mul3A_296] : memref<131072xf32, #tpu.memory_space<hbm>> -> memref<4096xf32, #tpu.memory_space<hbm>>
      tpu.wait_dma2 semaphore(%run_scoped3A : memref<!tpu.dma_semaphore, #tpu.memory_space<semaphore_mem>>) src(%arg10 : memref<4096xf32, #tpu.memory_space<vmem>>) dst(%dma_wait3A_300 : memref<4096xf32, #tpu.memory_space<hbm>>)
      tpu.yield
    }) : () -> ()
    return
  }
}

</mosaic_0001>

<sc_bundles>
// kernel: kernel.3.cloned.1.call-start
scs
__scs_entry_jumppad:
0x0: {  	(pc) =	sbr.rel $0x88, $3  }
0x1: {  	(tag) =	ssettag $0x0;
	lr =	simm.s32 $0x1  }
0x2: {  	[smem:$0x3FA0] =	sst lr;
	_ =	strace $0xD0000000  }
0x3: {  	_ = 	snop  }
0x4: {  	_ = 	snop  }
0x5: {  	_ = 	snop  }
0x6: {  	_ = 	snop  }
0x7: {  	_ = 	snop  }
__scs_overlays_trampoline_lowered:
0x8: {  	[smem:$0x3FAF] =	sst s0  }
0x9: {  	[smem:$0x3FB0] =	sst s1  }
0xa: {  	[smem:$0x3FB1] =	sst s2  }
0xb: {  	[smem:$0x3FB2] =	sst s3  }
0xc: {  	[smem:$0x3FB3] =	sst s4  }
0xd: {  	[smem:$0x3FB4] =	sst s5  }
0xe: {  	[smem:$0x3FB5] =	sst s6  }
0xf: {  	[smem:$0x3FB6] =	sst s7  }
0x10: {  	[smem:$0x3FB7] =	sst s8  }
0x11: {  	[smem:$0x3FB8] =	sst s9;
	s0 =	simm.s32 @!p0 $0x0  }
0x12: {  	s1 =	sld [smem:$0x3F9E];
	s0 =	simm.s32 @p0 $0x1  }
0x13: {  	[smem:$0x3FB9] =	sst s0;
	s0 =	simm.s32 @!p1 $0x0  }
0x14: {  	s2 =	sld [smem:$0x3F9D];
	s0 =	simm.s32 @p1 $0x1  }
0x15: {  	[smem:$0x3FBA] =	sst s0;
	s0 =	simm.s32 @!p2 $0x0  }
0x16: {  	s3 =	sld [smem:$0x3FDB];
	s0 =	simm.s32 @p2 $0x1  }
0x17: {  	s4 =	simm.s32 $0x1BF5;
	[smem:$0x3FBC] =	sst s0  }
0x18: {  	s0 =	sld [smem:$0x3F9F];
	_ =	swait.ge [sflag:s4], $0x0  }
0x19: {  	s7 =	sld [smem:$0x3FA0]  }
0x1a: {  	s8 =	sadd.s32 $0xFFFFE003, lr  }
0x1b: {  	s9 =	sadd.s32 $0xFFFFFEF7, lr;
	s5 =	simm.s32 $0xFFFFFFFF;
	p2 =	slt.u32 s8, $0xFFFFF086  }
0x1c: {  	p1 =	slt.u32 s9, $0xF7A;
	s5 =	simm.s32 @!p2 $0x0  }
0x1d: {  	s5 =	simm.s32 @p1 $0x1;
	p0 =	seq.s32 s7, s2  }
0x1e: {  	s7 =	smul.u32 @!p0 $0xF7A, s2;
	p2 =	seq.s32 @!p0 s5, $0x0  }
0x1f: {  	s9 =	smul.u32 $0xF7A, s1;
	s8 =	simm.s32 @!p0 $0x1BF5;
	p2 =	por !p2, p0  }
0x20: {  	[sflag:s8] =	ssyncset.s32 @!p0 $0xFFFFF086;
	s6 =	sadd.s32 @!p0 s3, s7;
	s7 =	simm.s32 @!p0 $0x108  }
0x21: {  	s3 =	sadd.s32 s3, s9;
	s6 =	sadd.s32 @!p0 $0x88, s6;
	s7 =	simm.s32 @p2 $0x1082  }
0x22: {  	[simem:s7], [sflag:s8] =	dma.local @!p0 [hbm:s6], $0xF7A  }
0x23: {  	s9 =	sor.u32 $0xD0000000, s2;
	s6 =	simm.s32 $0x108;
	_ =	swait.ge @!p0 [sflag:s8], $0x0  }
0x24: {  	s3 =	sadd.s32 $0x88, s3;
	s6 =	simm.s32 @!p1 $0x1082;
	[sflag:s4] =	ssyncset.s32 $0xFFFFF086  }
0x25: {  	[simem:s6], [sflag:s4] =	dma.local [hbm:s3], $0xF7A  }
0x26: {  	[smem:$0x3FA0] =	sst s1;
	(tag) =	ssettag s2;
	_ =	strace s9  }
0x27: {  	s1 =	sld [smem:$0x3FB0]  }
0x28: {  	s2 =	sld [smem:$0x3FB1]  }
0x29: {  	s4 =	sld [smem:$0x3FB3]  }
0x2a: {  	p0 =	seq.s32 s5, $0x0;
	s5 =	sld [smem:$0x3FB4]  }
0x2b: {  	s6 =	sld [smem:$0x3FB5]  }
0x2c: {  	s7 =	sld [smem:$0x3FB6]  }
0x2d: {  	s3 =	simm.s32 $0x108;
	s8 =	sld [smem:$0x3FB7]  }
0x2e: {  	s3 =	simm.s32 @!p0 $0x1082;
	s9 =	sld [smem:$0x3FB8]  }
0x2f: {  	lr =	sadd.s32 s0, s3;
	s0 =	sld [smem:$0x3FAF]  }
0x30: {  	s3 =	sld [smem:$0x3FB2]  }
0x31: {  	[smem:$0x3FBB] =	sst s10  }
0x32: {  	s10 =	sld [smem:$0x3FB9];
	_ =	sdelay $0x3  }
0x33: {  	p0 =	seq.s32 s10, $0x1;
	s10 =	sld [smem:$0x3FBB];
	_ =	sdelay $0x3  }
0x34: {  	[smem:$0x3FBB] =	sst s10  }
0x35: {  	s10 =	sld [smem:$0x3FBA];
	_ =	sdelay $0x3  }
0x36: {  	p1 =	seq.s32 s10, $0x1;
	s10 =	sld [smem:$0x3FBB];
	_ =	sdelay $0x3  }
0x37: {  	[smem:$0x3FBB] =	sst s10  }
0x38: {  	s10 =	sld [smem:$0x3FBC]  }
0x39: {  	_ = 	snop;
	(pc) =	sbr.ind lr, $3  }
0x3a: {  	_ = 	snop  }
0x3b: {  	_ = 	snop  }
0x3c: {  	p2 =	seq.s32 s10, $0x1;
	s10 =	sld [smem:$0x3FBB]  }
0x3d: {  	_ =	shalt  }
0x3e: {  	_ =	shalt  }
0x3f: {  	_ =	shalt  }
0x40: {  	_ =	shalt  }
0x41: {  	_ =	shalt  }
0x42: {  	_ =	shalt  }
0x43: {  	_ =	shalt  }
0x44: {  	_ =	shalt  }
0x45: {  	_ =	shalt  }
0x46: {  	_ =	shalt  }
0x47: {  	_ =	shalt  }
0x48: {  	_ =	shalt  }
0x49: {  	_ =	shalt  }
0x4a: {  	_ =	shalt  }
0x4b: {  	_ =	shalt  }
0x4c: {  	_ =	shalt  }
0x4d: {  	_ =	shalt  }
0x4e: {  	_ =	shalt  }
0x4f: {  	_ =	shalt  }
0x50: {  	_ =	shalt  }
0x51: {  	_ =	shalt  }
0x52: {  	_ =	shalt  }
0x53: {  	_ =	shalt  }
0x54: {  	_ =	shalt  }
0x55: {  	_ =	shalt  }
0x56: {  	_ =	shalt  }
0x57: {  	_ =	shalt  }
0x58: {  	_ =	shalt  }
0x59: {  	_ =	shalt  }
0x5a: {  	_ =	shalt  }
0x5b: {  	_ =	shalt  }
0x5c: {  	_ =	shalt  }
0x5d: {  	_ =	shalt  }
0x5e: {  	_ =	shalt  }
0x5f: {  	_ =	shalt  }
0x60: {  	_ =	shalt  }
0x61: {  	_ =	shalt  }
0x62: {  	_ =	shalt  }
0x63: {  	_ =	shalt  }
0x64: {  	_ =	shalt  }
0x65: {  	_ =	shalt  }
0x66: {  	_ =	shalt  }
0x67: {  	_ =	shalt  }
0x68: {  	_ =	shalt  }
0x69: {  	_ =	shalt  }
0x6a: {  	_ =	shalt  }
0x6b: {  	_ =	shalt  }
0x6c: {  	_ =	shalt  }
0x6d: {  	_ =	shalt  }
0x6e: {  	_ =	shalt  }
0x6f: {  	_ =	shalt  }
0x70: {  	_ =	shalt  }
0x71: {  	_ =	shalt  }
0x72: {  	_ =	shalt  }
0x73: {  	_ =	shalt  }
0x74: {  	_ =	shalt  }
0x75: {  	_ =	shalt  }
0x76: {  	_ =	shalt  }
0x77: {  	_ =	shalt  }
0x78: {  	_ =	shalt  }
0x79: {  	_ =	shalt  }
0x7a: {  	_ =	shalt  }
0x7b: {  	_ =	shalt  }
0x7c: {  	_ =	shalt  }
0x7d: {  	_ =	shalt  }
0x7e: {  	_ =	shalt  }
0x7f: {  	_ =	shalt  }
0x80: {  	_ =	shalt  }
0x81: {  	_ =	shalt  }
0x82: {  	_ =	shalt  }
0x83: {  	_ =	shalt  }
0x84: {  	_ =	shalt  }
0x85: {  	_ =	shalt  }
0x86: {  	_ =	shalt  }
0x87: {  	_ =	shalt  }
.Lfunc_end0:
.L_simem_size_0:
called_computation_lowered:
.L_overlay_start_0:
0x88: {  	s2 =	sld [smem:$0x3FD9]  }
0x89: {  	s3 =	sld [smem:$0x3FFE];
	_ =	sdelay $0x1  }
0x8a: {  	s1 =	srdreg.scid  }
0x8b: {  	s0 =	sand.u32 $0x1, s1  }
0x8c: {  	s16 =	sshll.u32 s0, $0xA;
	s2 =	sadd.s32 s3, s2  }
0x8d: {  	s2 =	sadd.s32 s2, s16  }
0x8e: {  	[smem:$0x3FC7] =	sst s2  }
0x8f: {  	_ = 	snop  }
0x90: {  	(tm) =	ssettm $0x1  }
0x91: {  	s17 =	sld [smem:$0x3FFB];
	_ =	sdelay $0x3  }
0x92: {  	_ =	strace s17  }
0x93: {  	s2 =	sld [smem:$0x3FFC];
	_ =	sdelay $0x3  }
0x94: {  	_ =	strace s2  }
0x95: {  	s2 =	sld [smem:$0x3FFD];
	_ =	sdelay $0x3  }
0x96: {  	_ =	strace s2  }
0x97: {  	_ =	strace $0x8FFFFFFF  }
0x98: {  	s18 =	sld [smem:$0x3FDB];
	_ =	sdelay $0x1  }
0x99: {  	s19 =	simm.s32 $_scs_section_size  }
0x9a: {  	s4 =	simm.s32 $_size__tile_overlayer_lowered;
	s5 =	simm.s32 $_tile_overlayer_lowered  }
0x9b: {  	s22 =	simm.s32 $0x1BFF;
	s21 =	sshll.u32 s5, $0x1;
	s2 =	sadd.s32 s19, s18  }
0x9c: {  	s6 =	simm.s32 $0x0;
	s20 =	sshll.u32 s4, $0x1;
	s4 =	sadd.s32 s21, s2  }
0x9d: {  	[timem:s6], [sflag:s22] =	dma.local [hbm:s4], s20  }
0x9e: {  	_ =	swait.ge [sflag:s22], s20  }
0x9f: {  	s3 =	ssub.s32 $0x0, s20;
	[sflag:s22] =	ssyncset.done $0x0  }
0xa0: {  	[sflag:s22] =	ssyncadd.s32 s3;
	_ =	sdelay $0x1  }
0xa1: {  	s23 =	simm.s32 $0x1B8B  }
0xa2: {  	_ =	swait.ge [sflag:s23], $0x1  }
0xa3: {  	[sflag:s23] =	ssyncset.done $0x0  }
0xa4: {  	s25 =	simm.s32 $0x1B8E;
	s24 =	sld [smem:$0x3FFE];
	[sflag:s23] =	ssyncadd.s32 $0xFFFFFFFF  }
0xa5: {  	s26 =	simm.s32 $execute0_lowered;
	[smem:$0x3FD2] =	sst s25  }
0xa6: {  	s4 =	sshll.u32 s26, $0x1;
	_ =	strace $0x80000046;
	[dreg:$0x1] =	wrdreg $0xFFFFFFFF  }
0xa7: {  	s28 =	simm.s32 $_size_execute0_lowered;
	s2 =	sadd.s32 s2, s4;
	[dreg:$0x0] =	wrdreg $0x0  }
0xa8: {  	s4 =	sshll.u32 s28, $0x1;
	[dreg:$0x2] =	wrdreg s2  }
0xa9: {  	[dreg:$0x3] =	wrdreg s4  }
0xaa: {  	[dreg:$0x4] =	wrdreg $0xC0  }
0xab: {  	_ =	task [dreg:s6], $0x5FFFF  }
0xac: {  	[dreg:$0x1] =	wrdreg $0xFFFFFFFF  }
0xad: {  	[dreg:$0x0] =	wrdreg $0x60  }
0xae: {  	[dreg:$0x2] =	wrdreg s24  }
0xaf: {  	[dreg:$0x3] =	wrdreg $0x9  }
0xb0: {  	_ =	task.clear_ibuf [dreg:s6], $0x4FFFF;
	_ =	strace $0x90000046  }
0xb1: {  	s29 =	simm.s32 $0x9;
	_ =	strace $0x80000048  }
0xb2: {  	_ =	swait.ge [sflag:s29], $0x1  }
0xb3: {  	[sflag:s29] =	ssyncadd.s32 $0xFFFFFFFF  }
0xb4: {  	_ =	strace $0x90000048  }
0xb5: {  	_ =	sfence  }
0xb6: {  	s30 =	sld [smem:$0x0];
	_ =	sdelay $0x2  }
0xb7: {  	s31 =	sshll.u32 s1, $0xD;
	s1 =	sshrl.u32 s1, $0x2  }
0xb8: {  	s3 =	sand.u32 $0x4000, s31;
	s1 =	sadd.s32 s1, s30  }
0xb9: {  	s0 =	sor.u32 s3, s0;
	s1 =	sshll.u32 s1, $0x11  }
0xba: {  	s0 =	sor.u32 s1, s0  }
0xbb: {  	s0 =	sadd.s32 $0x8F2B, s0  }
0xbc: {  	[sflag:s0] =	ssyncadd.remote.s32 $0x1  }
0xbd: {  	_ =	sfence.sel $0xFFFF  }
0xbe: {  	[dreg:$0x0] =	wrdreg $0xFFFFFFFF;
	(pc) =	sbr.abs _section_cstart, $3  }
0xbf: {  	[dreg:$0x1] =	wrdreg $0xFFFFFFFF  }
0xc0: {  	_ =	task.clear_ibuf [dreg:s6], $0x2FFFF;
	_ =	strace $0x9FFFFFFF  }
0xc1: {  	(tm) =	ssettm $0x7FFFFFFF  }
tec
execute0_lowered:
.L_overlay_start_1:
0x0: {  	(tag) =	ssettag $0x1  }
0x1: {  	s3 =	rddreg [dreg:$0x0]  }
0x2: {  	s0 =	rddreg [dreg:$0x1];
	s2 =	simm.s32 $0x0;
	s4 =	srdreg.scid  }
0x3: {  	s1 =	stileid.u32;
	s8 =	simm.s32 $0x2000;
	s9 =	simm.s32 $0x3100  }
0x4: {  	s10 =	simm.s32 $0x4200;
	s11 =	simm.s32 $0x1;
	s12 =	simm.s32 $0x2  }
0x5: {  	s13 =	simm.s32 $0x5300;
	s14 =	simm.s32 $0x6480;
	s15 =	simm.s32 $0x3  }
0x6: {  	[smem:$0x7FF] =	sst s2;
	s4 =	sand.u32 $0x1, s4;
	s5 =	sshll.u32 s1, $0x1  }
0x7: {  	s16 =	simm.s32 $0x0;
	_ =	strace $0x80000047;
	s5 =	sor.u32 s4, s5  }
0x8: {  	s4 =	ssub.s32 $0x2, s4;
	s6 =	sshll.u32 s5, $0xA;
	s5 =	sshll.u32 s5, $0x9  }
0x9: {  	v2 =	vlaneseq.u32;
	s31 =	sshrl.u32 s4, $0x1;
	s6 =	sadd.s32 s6, s3;
	s5 =	sadd.s32 s5, s3  }
0xa: {  	v0 =	vmul.u32 $0x11, v2;
	s7 =	ssub.s32 s4, s31;
	s3 =	sadd.s32 $0x800, s6;
	s4 =	sadd.s32 $0xA00, s6  }
0xb: {  	v1 =	vimm.f32 $0.0e+00;
	v3 =	vimm.s32 $0xFFFFFFFF;
	v2 =	vmul.u32 $0x2, v2;
	s5 =	sadd.s32 $0x8800, s5;
	s6 =	smax.u32 s7, $0x1;
	s7 =	simm.s32 $0x1000  }
.LBB2_1:
0xc: {  	s17 =	simm.s32 $0x10  }
0xd: {  	v4 =	vadd.s32 s17, v0  }
0xe: {  	[tilespmem:s2], [sflag:$0x1] =	stream.linear.gather [hbm4b:s3+s2], $0x1000, $0x38;
	[tilespmem:$0x7500] =	vst v63  }
0xf: {  	s31 =	simm.s32 $0x120  }
0x10: {  	v6 =	vadd.s32 s31, v0  }
0x11: {  	[tilespmem:s7], [sflag:$0x2] =	stream.linear.gather [hbm4b:s4+s2], $0x1000, $0x38;
	[tilespmem:$0x7500] =	vst v63  }
0x12: {  	s19 =	simm.s32 $0x230;
	[tilespmem:v4+s8+$0x0] =	vst.idx.msk $0xffff, v1  }
0x13: {  	v5 =	vadd.s32 s19, v0;
	[tilespmem:v4+s9+$0x0] =	vst.idx.msk $0xffff, v1  }
0x14: {  	[tilespmem:v4+s10+$0x0] =	vst.idx.msk $0xffff, v1  }
0x15: {  	s18 =	simm.s32 $0x340;
	[tilespmem:v6+s8+$0x0] =	vst.idx.msk $0xffff, v1  }
0x16: {  	v4 =	vadd.s32 s18, v0;
	[tilespmem:v6+s9+$0x0] =	vst.idx.msk $0xffff, v1  }
0x17: {  	s17 =	simm.s32 $0x0;
	s18 =	simm.s32 $0x780;
	[tilespmem:v6+s10+$0x0] =	vst.idx.msk $0xffff, v1  }
.LBB2_2:
0x18: {  	s19 =	sadd.s32 $0xFFFFFCD0, s18;
	s17 =	sadd.s32 $0x4, s17;
	[tilespmem:v5+s8+$0x0] =	vst.idx.msk $0xffff, v1  }
0x19: {  	v6 =	vadd.s32 s19, v0;
	p0 =	slt.u32 s17, $0xC;
	[tilespmem:v5+s9+$0x0] =	vst.idx.msk $0xffff, v1  }
0x1a: {  	[tilespmem:v5+s10+$0x0] =	vst.idx.msk $0xffff, v1  }
0x1b: {  	s19 =	sadd.s32 $0xFFFFFDE0, s18;
	[tilespmem:v4+s8+$0x0] =	vst.idx.msk $0xffff, v1  }
0x1c: {  	v7 =	vadd.s32 s19, v0;
	[tilespmem:v4+s9+$0x0] =	vst.idx.msk $0xffff, v1  }
0x1d: {  	[tilespmem:v4+s10+$0x0] =	vst.idx.msk $0xffff, v1  }
0x1e: {  	s19 =	sadd.s32 $0xFFFFFEF0, s18;
	[tilespmem:v6+s8+$0x0] =	vst.idx.msk $0xffff, v1  }
.Ltmp0:
0x1f: {  	v5 =	vadd.s32 s19, v0;
	[tilespmem:v6+s9+$0x0] =	vst.idx.msk $0xffff, v1;
	(pc) =	sbr.rel @p0 .LBB2_2-.Ltmp0, $4  }
0x20: {  	[tilespmem:v6+s10+$0x0] =	vst.idx.msk $0xffff, v1  }
0x21: {  	[tilespmem:v7+s8+$0x0] =	vst.idx.msk $0xffff, v1  }
0x22: {  	v4 =	vadd.s32 s18, v0;
	[tilespmem:v7+s9+$0x0] =	vst.idx.msk $0xffff, v1  }
0x23: {  	s18 =	sadd.s32 $0x440, s18;
	[tilespmem:v7+s10+$0x0] =	vst.idx.msk $0xffff, v1  }
0x24: {  	_ =	sdelay $0x3  }
0x25: {  	[tilespmem:v5+s8+$0x0] =	vst.idx.msk $0xffff, v1  }
0x26: {  	[tilespmem:v5+s9+$0x0] =	vst.idx.msk $0xffff, v1  }
0x27: {  	[tilespmem:v5+s10+$0x0] =	vst.idx.msk $0xffff, v1  }
0x28: {  	[tilespmem:v4+s8+$0x0] =	vst.idx.msk $0xffff, v1  }
0x29: {  	[tilespmem:v4+s9+$0x0] =	vst.idx.msk $0xffff, v1  }
0x2a: {  	[tilespmem:v4+s10+$0x0] =	vst.idx.msk $0xffff, v1  }
0x2b: {  	_ =	swait.ge [sflag:s11], $0x1000  }
0x2c: {  	s17 =	simm.s32 $0x0;
	[sflag:s11] =	ssyncset.done $0x0  }
0x2d: {  	s17 =	sand.u32 $0xC, s17;
	[sflag:s11] =	ssyncadd.s32 $0xFFFFF000  }
0x2e: {  	s20 =	simm.s32 $0x20;
	s17 =	smul.u32 $0x110, s17;
	_ =	swait.ge [sflag:s12], $0x1000  }
0x2f: {  	s18 =	simm.s32 $0x3;
	s19 =	simm.s32 $0x1;
	[sflag:s12] =	ssyncset.done $0x0  }
0x30: {  	s18 =	sand.u32 $0xF, s18;
	s17 =	sadd.s32 $0x0, s17;
	[sflag:s12] =	ssyncadd.s32 $0xFFFFF000  }
0x31: {  	s21 =	simm.s32 $0x2;
	s19 =	sand.u32 $0xD, s19;
	s18 =	smul.u32 $0x110, s18;
	v9 =	vadd.s32 s17, v0;
	v7 =	vld [tilespmem:s20+$0xFFFFFFE0]  }
0x32: {  	s24 =	sand.u32 $0xE, s21;
	s19 =	smul.u32 $0x110, s19  }
0x33: {  	s21 =	smul.u32 $0x110, s24;
	s25 =	sadd.s32 $0x0, s18  }
0x34: {  	s19 =	sadd.s32 $0x0, s19;
	v5 =	vadd.s32 s25, v0;
	v8 =	vld [tilespmem:s20+$0x10]  }
0x35: {  	s22 =	simm.s32 $0x7;
	s21 =	sadd.s32 $0x0, s21;
	s18 =	simm.s32 $0x4;
	v4 =	vadd.s32 s19, v0;
	v10 =	vld [tilespmem:s20+$0xFFFFFFF0]  }
0x36: {  	s29 =	simm.s32 $0x6;
	s17 =	simm.s32 $0x1020;
	v6 =	vadd.s32 s21, v0;
	s26 =	sand.u32 $0xC, s18;
	v15 =	vld [tilespmem:s20+$0x0];
	[tilespmem:v9+s8+$0x0] =	vst.idx.msk $0xffff, v7  }
0x37: {  	s22 =	sand.u32 $0xF, s22;
	s19 =	simm.s32 $0x60;
	s28 =	smul.u32 $0x110, s26;
	v16 =	vld [tilespmem:s17+$0xFFFFFFE0]  }
0x38: {  	s23 =	simm.s32 $0x5;
	s22 =	smul.u32 $0x110, s22;
	s21 =	sand.u32 $0xE, s29;
	v11 =	vld [tilespmem:s19+$0xFFFFFFE0]  }
0x39: {  	s23 =	sand.u32 $0xD, s23;
	s21 =	smul.u32 $0x110, s21;
	s20 =	sadd.s32 $0x0, s28;
	v7 =	vld [tilespmem:s19+$0x10];
	[tilespmem:v5+s8+$0x0] =	vst.idx.msk $0xffff, v8  }
0x3a: {  	s23 =	smul.u32 $0x110, s23;
	v13 =	vadd.s32 s20, v0;
	[tilespmem:v4+s8+$0x0] =	vst.idx.msk $0xffff, v10;
	v14 =	vld [tilespmem:s17+$0x10]  }
0x3b: {  	s30 =	sadd.s32 $0x0, s22;
	s31 =	sadd.s32 $0x0, s21;
	[tilespmem:v6+s8+$0x0] =	vst.idx.msk $0xffff, v15;
	v12 =	vld [tilespmem:s17+$0xFFFFFFF0]  }
0x3c: {  	s21 =	sadd.s32 $0x0, s23;
	s20 =	simm.s32 $0xA0;
	v10 =	vadd.s32 s30, v0;
	v8 =	vadd.s32 s31, v0;
	v15 =	vld [tilespmem:s17+$0x0];
	[tilespmem:v9+s9+$0x0] =	vst.idx.msk $0xffff, v16;
	v9 =	vmov v13  }
.LBB2_4:
0x3d: {  	v17 =	vadd.s32 s21, v0;
	s21 =	smov.u32 s18;
	s18 =	sadd.s32 $0x4, s18  }
0x3e: {  	v16 =	vld [tilespmem:s20+$0x10];
	s17 =	sadd.s32 $0x40, s17;
	s22 =	sand.u32 $0xC, s18;
	s23 =	sshrl.u32 s18, $0x4  }
0x3f: {  	s24 =	sadd.s32 $0x7, s21;
	[tilespmem:v13+s8+$0x0] =	vst.idx.msk $0xffff, v11;
	v18 =	vld [tilespmem:s19+$0xFFFFFFF0];
	s25 =	sadd.s32 $0x5, s21;
	s21 =	sadd.s32 $0x6, s21  }
0x40: {  	s22 =	smul.u32 $0x110, s22;
	v19 =	vld [tilespmem:s19+$0x0];
	[tilespmem:v5+s9+$0x0] =	vst.idx.msk $0xffff, v14;
	v5 =	vmov v10;
	s19 =	sand.u32 $0xE, s21;
	s21 =	sand.u32 $0xF, s24  }
0x41: {  	p0 =	slt.u32 s18, $0xFC;
	s25 =	sand.u32 $0xD, s25;
	v20 =	vld [tilespmem:s17+$0xFFFFFFE0];
	[tilespmem:v4+s9+$0x0] =	vst.idx.msk $0xffff, v12;
	v4 =	vmov v17;
	s21 =	smul.u32 $0x110, s21  }
.Ltmp1:
0x42: {  	s22 =	sadd.s32 s23, s22;
	[tilespmem:v6+s9+$0x0] =	vst.idx.msk $0xffff, v15;
	(pc) =	sbr.rel @p0 .LBB2_4-.Ltmp1, $4  }
0x43: {  	v6 =	vmov v8;
	v13 =	vadd.s32 s22, v0;
	v11 =	vld [tilespmem:s20+$0xFFFFFFE0];
	s22 =	smul.u32 $0x110, s19;
	[tilespmem:v10+s8+$0x0] =	vst.idx.msk $0xffff, v7;
	v7 =	vmov v16;
	s19 =	smov.u32 s20  }
0x44: {  	s24 =	smul.u32 $0x110, s25;
	s21 =	sadd.s32 s23, s21;
	[tilespmem:v17+s8+$0x0] =	vst.idx.msk $0xffff, v18;
	v14 =	vld [tilespmem:s17+$0x10]  }
0x45: {  	v10 =	vadd.s32 s21, v0;
	s22 =	sadd.s32 s23, s22;
	v12 =	vld [tilespmem:s17+$0xFFFFFFF0];
	[tilespmem:v8+s8+$0x0] =	vst.idx.msk $0xffff, v19  }
0x46: {  	s20 =	sadd.s32 $0x40, s20;
	s21 =	sadd.s32 s23, s24;
	v8 =	vadd.s32 s22, v0;
	[tilespmem:v9+s9+$0x0] =	vst.idx.msk $0xffff, v20;
	v15 =	vld [tilespmem:s17+$0x0];
	v9 =	vmov v13  }
0x47: {  	_ =	sdelay $0x1  }
0x48: {  	v16 =	vadd.s32 s21, v0;
	v17 =	vld [tilespmem:s19+$0xFFFFFFF0]  }
0x49: {  	v18 =	vld [tilespmem:s19+$0x0]  }
0x4a: {  	[tilespmem:v10+s8+$0x0] =	vst.idx.msk $0xffff, v7  }
0x4b: {  	s17 =	sadd.s32 $0x40, s17;
	[tilespmem:v13+s8+$0x0] =	vst.idx.msk $0xffff, v11  }
0x4c: {  	v7 =	vld [tilespmem:s17+$0x10];
	[tilespmem:v5+s9+$0x0] =	vst.idx.msk $0xffff, v14  }
0x4d: {  	v5 =	vld [tilespmem:s17+$0xFFFFFFE0];
	[tilespmem:v16+s8+$0x0] =	vst.idx.msk $0xffff, v17  }
0x4e: {  	[tilespmem:v8+s8+$0x0] =	vst.idx.msk $0xffff, v18;
	v11 =	vld [tilespmem:s17+$0xFFFFFFF0]  }
0x4f: {  	[tilespmem:v4+s9+$0x0] =	vst.idx.msk $0xffff, v12;
	v4 =	vld [tilespmem:s17+$0x0]  }
0x50: {  	[tilespmem:v6+s9+$0x0] =	vst.idx.msk $0xffff, v15  }
0x51: {  	[tilespmem:v10+s9+$0x0] =	vst.idx.msk $0xffff, v7  }
0x52: {  	[tilespmem:v9+s9+$0x0] =	vst.idx.msk $0xffff, v5  }
0x53: {  	[tilespmem:v16+s9+$0x0] =	vst.idx.msk $0xffff, v11  }
0x54: {  	[tilespmem:v8+s9+$0x0] =	vst.idx.msk $0xffff, v4  }
0x55: {  	v4 =	vld [tilespmem:$0x30EE]  }
0x56: {  	s18 =	simm.s32 $0x3122;
	v5 =	vld [tilespmem:$0x41EE]  }
0x57: {  	s17 =	simm.s32 $0x2022;
	v7 =	vld [tilespmem:s18+$0xFFFFFFDE]  }
0x58: {  	v8 =	vld [tilespmem:s17+$0xFFFFFFDE]  }
0x59: {  	v12 =	vld [tilespmem:s18+$0xFFFFFFEF]  }
0x5a: {  	v13 =	vld [tilespmem:s17+$0xFFFFFFEF]  }
0x5b: {  	v10 =	vld [tilespmem:s18+$0x0]  }
0x5c: {  	v6 =	vimm.s32 $0x0;
	v11 =	vld [tilespmem:s17+$0x0];
	vm0 =	vgt.f32 v7, v5  }
0x5d: {  	vm2 =	vgt.f32 v8, v4;
	v9 =	vsel vm0, $0x0, v6  }
0x5e: {  	vm4 =	vgt.f32 v12, v7;
	v9 =	vsel vm2, $0x1, v9  }
0x5f: {  	v7 =	vsel vm4, $0x0, v9;
	v9 =	vld [tilespmem:s18+$0x11]  }
0x60: {  	vm7 =	vgt.f32 v10, v12;
	v12 =	vld [tilespmem:s17+$0x11]  }
0x61: {  	vm5 =	vgt.f32 v13, v8;
	vm6 =	vgt.f32 v11, v13  }
0x62: {  	v8 =	vimm.s32 $0x0;
	vm1 =	vmor vm2, vm0;
	v7 =	vsel vm5, $0x1, v7  }
0x63: {  	s19 =	simm.s32 $0x3166;
	vm3 =	vmor vm5, vm4;
	s18 =	simm.s32 $0x0;
	v13 =	vsel vm7, $0x0, v7;
	v7 =	vimm.s32 $0x0  }
.LBB2_6:
0x64: {  	v14 =	vld [tilespmem:s19+$0xFFFFFFDE];
	s18 =	sadd.s32 $0x4, s18;
	v13 =	vsel vm6, $0x1, v13;
	vm8 =	vmor vm6, vm7;
	vm9 =	vgt.f32 v9, v10;
	s17 =	sadd.s32 $0x44, s17  }
0x65: {  	v15 =	vld [tilespmem:s17+$0xFFFFFFDE];
	p0 =	slt.u32 s18, $0xFC;
	vm10 =	vgt.f32 v12, v11;
	v10 =	vsel vm9, $0x0, v13;
	vm7 =	vmor vm9, vm7  }
0x66: {  	v13 =	vld [tilespmem:s19+$0xFFFFFFEF];
	v16 =	vsel vm10, $0x1, v10;
	vm9 =	vmor vm10, vm9;
	vm6 =	vmor vm10, vm6  }
0x67: {  	vm4 =	vmor vm7, vm4;
	v17 =	vld [tilespmem:s17+$0xFFFFFFEF];
	vm8 =	vmor vm9, vm8;
	vm5 =	vmor vm6, vm5  }
0x68: {  	vm6 =	vmor vm4, vm0;
	v10 =	vld [tilespmem:s19+$0x0];
	vm3 =	vmor vm8, vm3;
	vm2 =	vmor vm5, vm2  }
0x69: {  	vm0 =	vgt.f32 v14, v9;
	v11 =	vld [tilespmem:s17+$0x0];
	vm1 =	vmor vm3, vm1;
	v6 =	vsel vm2, $0x1, v6  }
.Ltmp2:
0x6a: {  	vm2 =	vgt.f32 v15, v12;
	v12 =	vsel vm0, $0x0, v16;
	v9 =	vld [tilespmem:s19+$0x11];
	v7 =	vsel vm1, $0x1, v7;
	(pc) =	sbr.rel @p0 .LBB2_6-.Ltmp2, $4  }
0x6b: {  	v16 =	vsel vm2, $0x1, v12;
	vm1 =	vmor vm2, vm0;
	vm4 =	vgt.f32 v13, v14;
	v12 =	vld [tilespmem:s17+$0x11]  }
0x6c: {  	v8 =	vsel vm6, $0x1, v8;
	vm5 =	vgt.f32 v17, v15;
	v14 =	vsel vm4, $0x0, v16  }
0x6d: {  	v14 =	vsel vm5, $0x1, v14;
	vm3 =	vmor vm5, vm4;
	vm7 =	vgt.f32 v10, v13  }
0x6e: {  	s19 =	sadd.s32 $0x44, s19;
	vm6 =	vgt.f32 v11, v17;
	v13 =	vsel vm7, $0x0, v14  }
0x6f: {  	_ = 	snop  }
0x70: {  	vm9 =	vgt.f32 v9, v10;
	vm8 =	vgt.f32 v12, v11  }
0x71: {  	vm15 =	vmor vm9, vm7;
	vm10 =	vmor vm8, vm6  }
0x72: {  	vm4 =	vmor vm15, vm4;
	vm5 =	vmor vm10, vm5  }
0x73: {  	vm0 =	vmor vm4, vm0;
	vm2 =	vmor vm5, vm2  }
0x74: {  	v8 =	vsel vm0, $0x1, v8;
	v6 =	vsel vm2, $0x1, v6  }
0x75: {  	vm0 =	vmor vm6, vm7;
	vm2 =	vmor vm8, vm9;
	v6 =	vor.u32 $0x80000000, v6  }
0x76: {  	vm0 =	vmor vm2, vm0;
	(xrf0) =	vmax.scan.msk.u32 $0xffff, v6;
	v6 =	vor.u32 $0x80000000, v8;
	v8 =	vsel vm6, $0x1, v13  }
0x77: {  	vm0 =	vmor vm0, vm3;
	(xrf0) =	vmax.scan.msk.u32 $0xffff, v6;
	v6 =	vsel vm9, $0x0, v8  }
0x78: {  	vm0 =	vmor vm0, vm1;
	v6 =	vsel vm8, $0x1, v6  }
0x79: {  	v7 =	vsel vm0, $0x1, v7;
	v6 =	vadd.s32 v2, v6  }
0x7a: {  	vm0 =	veq.s32 v7, $0x0;
	v6 =	vxor.u32 $0x80000000, v6  }
0x7b: {  	v6 =	vsel vm0, $0x7FFFFFFF, v6  }
0x7c: {  	v7, _, _ =	vpop (xrf0);
	(xrf0) =	vmax.scan.msk.u32 $0xffff, v6;
	_ =	sdelay $0x2  }
0x7d: {  	(v2sf) =	vpush v7, $0xF;
	v7, _, _ =	vpop (xrf0)  }
0x7e: {  	(v2sf) =	vpush v7, $0xF;
	_ =	sdelay $0x1  }
0x7f: {  	v6, _, _ =	vpop (xrf0)  }
0x80: {  	[tilespmem:$0x7480] =	vst v3;
	v6 =	vxor.u32 $0x80000000, v6  }
0x81: {  	[tilespmem:$0x7481] =	vst v6  }
0x82: {  	v6 =	vld [tilespmem:$0x7480];
	_ =	sdelay $0x1  }
0x83: {  	s17 =	simm.s32 $0x3122  }
0x84: {  	s18 =	simm.s32 $0x2022;
	v7 =	vld [tilespmem:s17+$0xFFFFFFDE]  }
0x85: {  	v8 =	vld [tilespmem:s18+$0xFFFFFFDE]  }
0x86: {  	v10 =	vld [tilespmem:s17+$0xFFFFFFEF];
	v9 =	vand.u32 $0x1, v6  }
0x87: {  	v11 =	vld [tilespmem:s18+$0xFFFFFFEF];
	v9 =	vcvt.s32.f32 v9  }
0x88: {  	vm0 =	vgt.s32 v6, $0xFFFFFFFF;
	v6 =	vld [tilespmem:s17+$0x0]  }
0x89: {  	v12 =	vld [tilespmem:s18+$0x0];
	v9 =	vnsel vm0, $0x0, v9;
	vm0 =	vgt.f32 v7, v5  }
0x8a: {  	v13 =	vld [tilespmem:s17+$0x11];
	vm1 =	vgt.f32 v8, v4;
	s19 =	spop (v2sf);
	v4 =	vsel vm0, $0x0, v9  }
0x8b: {  	v15 =	vld [tilespmem:s18+$0x11];
	s20 =	spop (v2sf);
	vm0 =	vgt.f32 v10, v7;
	v9 =	vsel vm1, $0x3F800000, v4  }
0x8c: {  	p0 =	sgt.u32 s20, $0x80000000;
	s20 =	simm.f32 $1.000000000e+00;
	vm1 =	vgt.f32 v11, v8;
	v5 =	vsel vm0, $0x0, v9  }
0x8d: {  	v14 =	vimm.f32 $0.0e+00;
	p1 =	sgt.u32 s19, $0x80000000;
	s20 =	simm.s32 @!p0 $0x0;
	vm0 =	vgt.f32 v6, v10;
	v16 =	vsel vm1, $0x3F800000, v5  }
0x8e: {  	s30 =	simm.s32 $0x3166;
	s20 =	simm.s32 @!p1 $0x0;
	v7 =	vmax.f32 v9, v14;
	vm1 =	vgt.f32 v12, v11;
	v8 =	vsel vm0, $0x0, v16  }
0x8f: {  	v17 =	vld [tilespmem:s30+$0xFFFFFFDE];
	s17 =	simm.s32 $0x2066;
	v4 =	vmov s20;
	vm0 =	vgt.f32 v13, v6;
	v11 =	vsel vm1, $0x3F800000, v8  }
0x90: {  	v18 =	vld [tilespmem:s17+$0xFFFFFFDE];
	vm1 =	vgt.f32 v15, v12;
	v19 =	vmax.f32 v11, v16;
	v12 =	vsel vm0, $0x0, v11  }
0x91: {  	s31 =	simm.s32 $0x4222;
	v20 =	vld [tilespmem:s30+$0xFFFFFFEF];
	v5 =	vmax.f32 v7, v14;
	v8 =	vmax.f32 v19, v7;
	v21 =	vsel vm1, $0x3F800000, v12  }
0x92: {  	v22 =	vld [tilespmem:s17+$0xFFFFFFEF];
	[tilespmem:s31+$0xFFFFFFDE] =	vst v9;
	v10 =	vmax.f32 v16, v9;
	v7 =	vmax.f32 v8, v14;
	v9 =	vmax.f32 v21, v11  }
0x93: {  	v6 =	vmax.f32 v10, v14;
	v23 =	vmul.f32 v7, v4;
	v7 =	vmax.f32 v9, v10  }
0x94: {  	[tilespmem:s31+$0xFFFFFFEF] =	vst v16;
	vm0 =	vgt.f32 v17, v13;
	v12 =	vmax.f32 v6, v14;
	v13 =	vmax.f32 v7, v14  }
0x95: {  	[tilespmem:s31+$0x0] =	vst v11;
	vm1 =	vgt.f32 v18, v15;
	v11 =	vld [tilespmem:s30+$0x0];
	v15 =	vsel vm0, $0x0, v21;
	v13 =	vmul.f32 v13, v4  }
0x96: {  	s18 =	simm.s32 $0x5322;
	[tilespmem:s31+$0x11] =	vst v21;
	vm0 =	vgt.f32 v20, v17;
	v10 =	vmul.f32 v12, v4;
	v12 =	vld [tilespmem:s17+$0x0];
	v63 =	vsel vm1, $0x3F800000, v15  }
0x97: {  	s19 =	simm.s32 $0x4266;
	vm1 =	vgt.f32 v22, v18;
	v15 =	vsel vm0, $0x0, v63;
	[tilespmem:s18+$0x11] =	vst v13;
	v13 =	vld [tilespmem:s30+$0x11]  }
0x98: {  	v16 =	vmax.f32 v5, v14;
	[tilespmem:s19+$0xFFFFFFDE] =	vst v63;
	v18 =	vsel vm1, $0x3F800000, v15;
	v15 =	vld [tilespmem:s17+$0x11]  }
0x99: {  	v14 =	vmul.f32 v16, v4;
	v16 =	vmax.f32 v63, v21;
	[tilespmem:s18+$0x0] =	vst v23  }
0x9a: {  	[tilespmem:s18+$0xFFFFFFEF] =	vst v10;
	v10 =	vmax.f32 v16, v19;
	vm1 =	vgt.f32 v11, v20  }
0x9b: {  	s21 =	simm.s32 $0x31AA;
	s20 =	simm.s32 $0x4;
	[tilespmem:s19+$0xFFFFFFEF] =	vst v18;
	v17 =	vmax.f32 v18, v63;
	vm0 =	vgt.f32 v12, v22;
	v19 =	vsel vm1, $0x0, v18  }
.LBB2_8:
0x9c: {  	v20 =	vld [tilespmem:s21+$0xFFFFFFDE];
	s20 =	sadd.s32 $0x4, s20;
	v9 =	vmax.f32 v17, v9;
	v19 =	vsel vm0, $0x3F800000, v19;
	vm0 =	vgt.f32 v13, v11;
	s17 =	sadd.s32 $0x44, s17;
	[tilespmem:s18+$0xFFFFFFDE] =	vst v14  }
0x9d: {  	v21 =	vld [tilespmem:s17+$0xFFFFFFDE];
	p0 =	slt.u32 s20, $0xFC;
	[tilespmem:s19+$0x0] =	vst v19;
	v18 =	vmax.f32 v19, v18;
	vm1 =	vgt.f32 v15, v12;
	v11 =	vsel vm0, $0x0, v19  }
0x9e: {  	v12 =	vmax.f32 v9, v6;
	v6 =	vmovc v9;
	v22 =	vld [tilespmem:s21+$0xFFFFFFEF];
	v14 =	vmax.f32 v18, v16;
	v16 =	vsel vm1, $0x3F800000, v11  }
0x9f: {  	v5 =	vmax.f32 v10, v5;
	v23 =	vld [tilespmem:s17+$0xFFFFFFEF];
	v25 =	vmax.f32 v14, v8;
	[tilespmem:s19+$0x11] =	vst v16;
	v9 =	vmax.f32 v16, v19  }
0xa0: {  	v19 =	vmul.f32 v12, v4;
	v8 =	vmovc v14;
	v11 =	vld [tilespmem:s21+$0x0];
	v24 =	vmul.f32 v25, v4;
	v17 =	vmax.f32 v9, v17  }
0xa1: {  	s18 =	sadd.s32 $0x44, s18;
	v14 =	vmul.f32 v5, v4;
	vm0 =	vgt.f32 v20, v13;
	v12 =	vld [tilespmem:s17+$0x0];
	v25 =	vmax.f32 v17, v7;
	v7 =	vmovc v17  }
.Ltmp3:
0xa2: {  	v5 =	vmovc v10;
	vm1 =	vgt.f32 v21, v15;
	v15 =	vsel vm0, $0x0, v16;
	v13 =	vld [tilespmem:s21+$0x11];
	[tilespmem:s18+$0x0] =	vst v24;
	v17 =	vmul.f32 v25, v4;
	(pc) =	sbr.rel @p0 .LBB2_8-.Ltmp3, $4  }
0xa3: {  	v24 =	vsel vm1, $0x3F800000, v15;
	vm0 =	vgt.f32 v22, v20;
	v15 =	vld [tilespmem:s17+$0x11];
	[tilespmem:s18+$0xFFFFFFEF] =	vst v19  }
0xa4: {  	s19 =	sadd.s32 $0x44, s19;
	v16 =	vmax.f32 v24, v16;
	vm1 =	vgt.f32 v23, v21;
	v19 =	vsel vm0, $0x0, v24;
	[tilespmem:s18+$0x11] =	vst v17  }
0xa5: {  	[tilespmem:s19+$0xFFFFFFDE] =	vst v24;
	v10 =	vmax.f32 v16, v18;
	v18 =	vsel vm1, $0x3F800000, v19;
	vm1 =	vgt.f32 v11, v22  }
0xa6: {  	s21 =	sadd.s32 $0x44, s21;
	[tilespmem:s19+$0xFFFFFFEF] =	vst v18;
	v17 =	vmax.f32 v18, v24;
	vm0 =	vgt.f32 v12, v23;
	v19 =	vsel vm1, $0x0, v18  }
0xa7: {  	v19 =	vsel vm0, $0x3F800000, v19  }
0xa8: {  	vm15 =	vgt.f32 v13, v11;
	v9 =	vmax.f32 v17, v9;
	v5 =	vmax.f32 v10, v5  }
0xa9: {  	v11 =	vmax.f32 v19, v18;
	vm1 =	vgt.f32 v15, v12;
	v59 =	vsel vm15, $0x0, v19  }
0xaa: {  	[tilespmem:s18+$0xFFFFFFDE] =	vst v14;
	v6 =	vmax.f32 v9, v6;
	v11 =	vmax.f32 v11, v16;
	v12 =	vsel vm1, $0x3F800000, v59  }
0xab: {  	[tilespmem:s19+$0x0] =	vst v19;
	v5 =	vmul.f32 v5, v4;
	v8 =	vmax.f32 v11, v8;
	v11 =	vmax.f32 v12, v19  }
0xac: {  	s17 =	sadd.s32 $0x44, s18;
	v6 =	vmul.f32 v6, v4;
	[tilespmem:s19+$0x11] =	vst v12;
	v9 =	vmax.f32 v11, v17  }
0xad: {  	[tilespmem:s17+$0xFFFFFFDE] =	vst v5;
	v8 =	vmul.f32 v8, v4;
	v7 =	vmax.f32 v9, v7  }
0xae: {  	[tilespmem:s17+$0xFFFFFFEF] =	vst v6;
	v7 =	vmul.f32 v7, v4  }
0xaf: {  	[tilespmem:s17+$0x0] =	vst v8  }
0xb0: {  	[tilespmem:s17+$0x11] =	vst v7  }
0xb1: {  	v5 =	vld [tilespmem:$0x52BB]  }
0xb2: {  	v6 =	vld [tilespmem:$0x52CC]  }
0xb3: {  	v7 =	vld [tilespmem:$0x52DD]  }
0xb4: {  	v8 =	vld [tilespmem:$0x52EE]  }
0xb5: {  	v9 =	vld [tilespmem:$0x4200]  }
0xb6: {  	v10 =	vld [tilespmem:$0x4211]  }
0xb7: {  	v11 =	vld [tilespmem:$0x4222]  }
0xb8: {  	v12 =	vld [tilespmem:$0x4233]  }
0xb9: {  	v60 =	vld [tilespmem:$0x52CC]  }
0xba: {  	v14 =	vld [tilespmem:$0x52DD]  }
0xbb: {  	v61 =	vld [tilespmem:$0x52EE]  }
0xbc: {  	v62 =	vld [tilespmem:$0x4200]  }
0xbd: {  	v63 =	vld [tilespmem:$0x4211]  }
0xbe: {  	v48 =	vld [tilespmem:$0x4222]  }
0xbf: {  	v19 =	vld [tilespmem:$0x4233]  }
0xc0: {  	v20 =	vld [tilespmem:$0x4244]  }
0xc1: {  	v21 =	vld [tilespmem:$0x52DD]  }
0xc2: {  	v22 =	vld [tilespmem:$0x52EE]  }
0xc3: {  	v23 =	vld [tilespmem:$0x4200]  }
0xc4: {  	v24 =	vld [tilespmem:$0x4211]  }
0xc5: {  	v25 =	vld [tilespmem:$0x4222]  }
0xc6: {  	v26 =	vld [tilespmem:$0x4233]  }
0xc7: {  	v27 =	vld [tilespmem:$0x4244]  }
0xc8: {  	v28 =	vld [tilespmem:$0x4255]  }
0xc9: {  	v29 =	vld [tilespmem:$0x52EE]  }
0xca: {  	v30 =	vld [tilespmem:$0x4200]  }
0xcb: {  	v31 =	vld [tilespmem:$0x4211]  }
0xcc: {  	v32 =	vld [tilespmem:$0x4222]  }
0xcd: {  	v33 =	vld [tilespmem:$0x4233]  }
0xce: {  	v34 =	vld [tilespmem:$0x4244]  }
0xcf: {  	v35 =	vld [tilespmem:$0x4255]  }
0xd0: {  	v36 =	vld [tilespmem:$0x4266]  }
0xd1: {  	v37 =	vld [tilespmem:$0x5289]  }
0xd2: {  	v38 =	vld [tilespmem:$0x529A]  }
0xd3: {  	v39 =	vld [tilespmem:$0x52AB]  }
0xd4: {  	v40 =	vld [tilespmem:$0x52BC]  }
0xd5: {  	v41 =	vld [tilespmem:$0x52CD]  }
0xd6: {  	v54 =	vld [tilespmem:$0x52AB]  }
0xd7: {  	v56 =	vld [tilespmem:$0x52BC]  }
0xd8: {  	v42 =	vld [tilespmem:$0x52DE]  }
0xd9: {  	v57 =	vld [tilespmem:$0x52CD]  }
0xda: {  	v43 =	vld [tilespmem:$0x52EF]  }
0xdb: {  	v44 =	vld [tilespmem:$0x4201];
	v5 =	vmax.f32 v5, v6;
	v52 =	vmax.f32 v29, v30;
	v55 =	vmax.f32 v37, v38  }
0xdc: {  	v49 =	vld [tilespmem:$0x52BC];
	v59 =	vmax.f32 v54, v56;
	v5 =	vmax.f32 v5, v7;
	v15 =	vmax.f32 v52, v31  }
0xdd: {  	v50 =	vld [tilespmem:$0x52DE];
	v18 =	vmax.f32 v55, v39;
	v5 =	vmax.f32 v5, v8;
	v8 =	vmax.f32 v60, v14  }
0xde: {  	v6 =	vld [tilespmem:$0x529A];
	v15 =	vmax.f32 v15, v32;
	v18 =	vmax.f32 v18, v40;
	v14 =	vmax.f32 v59, v57  }
0xdf: {  	v7 =	vld [tilespmem:$0x52AB];
	v5 =	vmax.f32 v5, v9;
	v8 =	vmax.f32 v8, v61;
	v15 =	vmax.f32 v15, v33  }
0xe0: {  	v51 =	vld [tilespmem:$0x4201];
	v18 =	vmax.f32 v18, v41;
	v5 =	vmax.f32 v5, v10;
	v8 =	vmax.f32 v8, v62  }
0xe1: {  	v9 =	vld [tilespmem:$0x52CD];
	v10 =	vmax.f32 v21, v22;
	v15 =	vmax.f32 v15, v34;
	v18 =	vmax.f32 v18, v42  }
0xe2: {  	v53 =	vld [tilespmem:$0x4212];
	v5 =	vmax.f32 v5, v11;
	v8 =	vmax.f32 v8, v63;
	v10 =	vmax.f32 v10, v23  }
0xe3: {  	v58 =	vld [tilespmem:$0x52EF];
	v15 =	vmax.f32 v15, v35;
	v18 =	vmax.f32 v18, v43;
	v5 =	vmax.f32 v5, v12  }
0xe4: {  	v8 =	vmax.f32 v8, v48;
	v10 =	vmax.f32 v10, v24;
	v6 =	vmax.f32 v6, v7;
	v7 =	vld [tilespmem:$0x52DE]  }
0xe5: {  	v11 =	vld [tilespmem:$0x52EF];
	v15 =	vmax.f32 v15, v36;
	v8 =	vmax.f32 v8, v19;
	v6 =	vmax.f32 v6, v49  }
0xe6: {  	s21 =	simm.s32 $0x2;
	v10 =	vmax.f32 v10, v25;
	v5 =	vmul.f32 v5, v4;
	v6 =	vmax.f32 v6, v9;
	v9 =	vld [tilespmem:$0x4201]  }
0xe7: {  	s22 =	simm.s32 $0x1;
	s18 =	sand.u32 $0xE, s21;
	v60 =	vld [tilespmem:$0x4212];
	v62 =	vmul.f32 v15, v4;
	v8 =	vmax.f32 v8, v20;
	v10 =	vmax.f32 v10, v26  }
0xe8: {  	s20 =	simm.s32 $0x0;
	s18 =	smul.u32 $0x110, s18;
	s19 =	sand.u32 $0xD, s22;
	v61 =	vld [tilespmem:$0x4223];
	v10 =	vmax.f32 v10, v27;
	v6 =	vmax.f32 v6, v50;
	v8 =	vmul.f32 v8, v4  }
0xe9: {  	s19 =	smul.u32 $0x110, s19;
	s17 =	sand.u32 $0xC, s20;
	s20 =	simm.s32 $0x3;
	[tilespmem:$0x5333] =	vst v5;
	v5 =	vmax.f32 v18, v44;
	v10 =	vmax.f32 v10, v28;
	v7 =	vmax.f32 v14, v7  }
0xea: {  	s17 =	smul.u32 $0x110, s17;
	s20 =	sand.u32 $0xF, s20;
	v6 =	vmax.f32 v6, v11;
	v5 =	vmul.f32 v5, v4;
	v7 =	vmax.f32 v7, v58  }
0xeb: {  	s18 =	sadd.s32 $0x33, s18;
	s20 =	smul.u32 $0x110, s20;
	[tilespmem:$0x5366] =	vst v62;
	v10 =	vmul.f32 v10, v4;
	v6 =	vmax.f32 v6, v51;
	v7 =	vmax.f32 v7, v9  }
0xec: {  	s19 =	sadd.s32 $0x33, s19;
	s21 =	sadd.s32 $0x33, s17;
	s17 =	simm.s32 $0x4;
	[tilespmem:$0x5344] =	vst v8;
	v8 =	vadd.s32 s18, v0;
	v6 =	vmax.f32 v6, v53;
	v7 =	vmax.f32 v7, v60  }
0xed: {  	s29 =	simm.s32 $0x7;
	s23 =	sand.u32 $0xC, s17;
	s24 =	sadd.s32 $0x33, s20;
	[tilespmem:$0x6400] =	vst v5;
	v6 =	vmul.f32 v6, v4;
	v9 =	vadd.s32 s19, v0;
	v7 =	vmax.f32 v7, v61  }
0xee: {  	s25 =	simm.s32 $0x6;
	s22 =	smul.u32 $0x110, s23;
	v63 =	vadd.s32 s21, v0;
	s21 =	sand.u32 $0xF, s29;
	[tilespmem:$0x5355] =	vst v10;
	v10 =	vadd.s32 s24, v0;
	v4 =	vmul.f32 v7, v4  }
0xef: {  	s26 =	simm.s32 $0x5;
	s28 =	sand.u32 $0xE, s25;
	s21 =	smul.u32 $0x110, s21;
	[tilespmem:$0x6411] =	vst v6  }
0xf0: {  	s20 =	simm.s32 $0x8;
	s18 =	sand.u32 $0xD, s26;
	s19 =	smul.u32 $0x110, s28;
	[tilespmem:$0x6422] =	vst v4  }
0xf1: {  	s23 =	smul.u32 $0x110, s18;
	s24 =	sand.u32 $0xC, s20;
	v5 =	vld.idx.msk [tilespmem:v8+s13+$0x0], $0xffff  }
0xf2: {  	s22 =	sadd.s32 $0x33, s22;
	s24 =	smul.u32 $0x110, s24;
	s19 =	sadd.s32 $0x33, s19;
	v7 =	vld.idx.msk [tilespmem:v9+s13+$0x0], $0xffff  }
0xf3: {  	s31 =	sadd.s32 $0x33, s21;
	s21 =	simm.s32 $0x33;
	s30 =	sadd.s32 $0x33, s23;
	v11 =	vadd.s32 s19, v0;
	v6 =	vld.idx.msk [tilespmem:v10+s13+$0x0], $0xffff  }
0xf4: {  	s18 =	simm.s32 $0x64A0;
	s19 =	simm.s32 $0x64E0;
	v4 =	vadd.s32 s22, v0;
	s22 =	sadd.s32 $0x33, s24;
	v8 =	vld.idx.msk [tilespmem:v63+s13+$0x0], $0xffff;
	v10 =	vadd.s32 s30, v0;
	v9 =	vadd.s32 s31, v0  }
.LBB2_10:
0xf5: {  	s23 =	sadd.s32 $0x5, s17;
	s24 =	sadd.s32 $0x6, s17;
	s25 =	sadd.s32 $0x7, s17  }
0xf6: {  	[tilespmem:s18+$0x0] =	vst v5;
	s17 =	smov.u32 s20;
	s20 =	sadd.s32 $0x4, s20;
	s24 =	sand.u32 $0xE, s24  }
0xf7: {  	s25 =	sand.u32 $0xF, s25;
	[tilespmem:s18+$0xFFFFFFF0] =	vst v7;
	s23 =	sand.u32 $0xD, s23;
	s24 =	smul.u32 $0x110, s24  }
0xf8: {  	s26 =	sand.u32 $0xC, s20;
	p0 =	slt.u32 s20, $0xFC;
	v5 =	vld.idx.msk [tilespmem:v11+s13+$0x0], $0xffff;
	[tilespmem:s18+$0x10] =	vst v6;
	s23 =	smul.u32 $0x110, s23  }
.Ltmp4:
0xf9: {  	s28 =	sshrl.u32 s20, $0x4;
	v7 =	vld.idx.msk [tilespmem:v10+s13+$0x0], $0xffff;
	[tilespmem:s18+$0xFFFFFFE0] =	vst v8;
	(pc) =	sbr.rel @p0 .LBB2_10-.Ltmp4, $4  }
0xfa: {  	s25 =	smul.u32 $0x110, s25;
	s18 =	smov.u32 s19;
	s24 =	sadd.s32 s24, s21;
	v6 =	vld.idx.msk [tilespmem:v9+s13+$0x0], $0xffff  }
0xfb: {  	s26 =	smul.u32 $0x110, s26;
	s23 =	sadd.s32 s23, s21;
	v11 =	vadd.s32 s24, v0;
	v8 =	vld.idx.msk [tilespmem:v4+s13+$0x0], $0xffff;
	v4 =	vadd.s32 s22, v0  }
0xfc: {  	v10 =	vadd.s32 s23, v0;
	s23 =	sadd.s32 s25, s21;
	s21 =	sadd.s32 $0x33, s28  }
0xfd: {  	s19 =	sadd.s32 $0x40, s19;
	s22 =	sadd.s32 s26, s21;
	v9 =	vadd.s32 s23, v0  }
0xfe: {  	s20 =	sadd.s32 $0x6, s17  }
0xff: {  	s23 =	sadd.s32 $0x5, s17;
	s20 =	sand.u32 $0xE, s20  }
0x100: {  	s30 =	sadd.s32 $0x7, s17;
	s23 =	sand.u32 $0xD, s23;
	s20 =	smul.u32 $0x110, s20  }
0x101: {  	s17 =	sand.u32 $0xF, s30;
	s23 =	smul.u32 $0x110, s23  }
0x102: {  	v60 =	vadd.s32 s22, v0;
	s17 =	smul.u32 $0x110, s17;
	s20 =	sadd.s32 s20, s21  }
0x103: {  	v11 =	vld.idx.msk [tilespmem:v11+s13+$0x0], $0xffff;
	s23 =	sadd.s32 s23, s21;
	v12 =	vadd.s32 s20, v0  }
0x104: {  	[tilespmem:s18+$0x0] =	vst v5;
	v5 =	vld.idx.msk [tilespmem:v10+s13+$0x0], $0xffff;
	s17 =	sadd.s32 s17, s21;
	v13 =	vadd.s32 s23, v0  }
0x105: {  	[tilespmem:s18+$0xFFFFFFF0] =	vst v7;
	v59 =	vld.idx.msk [tilespmem:v9+s13+$0x0], $0xffff;
	v58 =	vadd.s32 s17, v0  }
0x106: {  	v4 =	vld.idx.msk [tilespmem:v4+s13+$0x0], $0xffff;
	[tilespmem:s18+$0x10] =	vst v6  }
0x107: {  	[tilespmem:s18+$0xFFFFFFE0] =	vst v8;
	v63 =	vld.idx.msk [tilespmem:v60+s13+$0x0], $0xffff  }
0x108: {  	[tilespmem:s19+$0x0] =	vst v11;
	v61 =	vld.idx.msk [tilespmem:v12+s13+$0x0], $0xffff  }
0x109: {  	[tilespmem:s19+$0xFFFFFFF0] =	vst v5;
	v62 =	vld.idx.msk [tilespmem:v13+s13+$0x0], $0xffff  }
0x10a: {  	[tilespmem:s19+$0x10] =	vst v59;
	v5 =	vld.idx.msk [tilespmem:v58+s13+$0x0], $0xffff  }
0x10b: {  	s31 =	sadd.s32 $0x40, s19;
	[tilespmem:s19+$0xFFFFFFE0] =	vst v4  }
0x10c: {  	[tilespmem:s31+$0xFFFFFFE0] =	vst v63  }
0x10d: {  	s16 =	sadd.s32 $0x1, s16;
	[tilespmem:s31+$0x0] =	vst v61  }
0x10e: {  	p0 =	sne.s32 s16, s6;
	[tilespmem:s31+$0xFFFFFFF0] =	vst v62  }
.Ltmp5:
0x10f: {  	[tilespmem:s31+$0x10] =	vst v5;
	(pc) =	sbr.rel @p0 .LBB2_1-.Ltmp5, $4  }
0x110: {  	[hbm4b:s5+s2] =	stream.linear.scatter [tilespmem:s14], [sflag:$0x3], $0x1000, $0x38;
	[tilespmem:$0x7500] =	vst v63  }
0x111: {  	_ =	swait.ge [sflag:s15], $0x1000  }
0x112: {  	[sflag:s15] =	ssyncset.done $0x0  }
0x113: {  	[sflag:s15] =	ssyncadd.s32 $0xFFFFF000  }
0x114: {  	_ =	sfence.sel $0x180000  }
0x115: {  	[bflag:$0x0] =	sbarrier.arrive $0xFFFF  }
0x116: {  	p0 =	sne.s32 s1, $0x0;
	_ =	strace $0x90000047  }
0x117: {  	s0 =	sadd.s32 @!p0 $0x100000, s0;
	[bflag:$0x2] =	sbarrier.arrive $0xFFFF  }
0x118: {  	[sflag:s0] =	ssyncadd.tile.s32 @!p0 $0x1;
	_ =	shalt  }
.Lfunc_end2:
_tile_overlayer_lowered:
.L_overlay_start_2:
0x119: {  	(tag) =	ssettag $0x2  }
0x11a: {  	s0 =	rddreg [dreg:$0x0];
	s2 =	stileid.u32  }
0x11b: {  	s1 =	rddreg [dreg:$0x1];
	p0 =	sne.s32 s2, $0x0  }
0x11c: {  	s3 =	rddreg [dreg:$0x2];
	[bflag:$0x3] =	sbarrier.arrive $0xFFFF;
	s2 =	simm.s32 @!p0 $0x1C03  }
0x11d: {  	[timem:s3], [sflag:s2] =	dma.local @!p0 [hbm:s0], s1  }
0x11e: {  	s0 =	simm.s32 @!p0 $0x3  }
0x11f: {  	_ =	swait.ge @!p0 [sflag:s0], s1  }
0x120: {  	s1 =	ssub.s32 @!p0 $0x0, s1;
	[sflag:s0] =	ssyncset.done @!p0 $0x0  }
0x121: {  	[sflag:s0] =	ssyncadd.s32 @!p0 s1  }
0x122: {  	[bflag:$0x3] =	sbarrier.arrive $0xFFFF  }
0x123: {  	_ =	shalt  }

</sc_bundles>
